<compile_context>
chip_gen: v7x
topology: tpu7x:2x2x1
jax: 0.10.2.dev20260603
libtpu: 0.0.44.dev20260713+nightly
codegen_flags: <defaults>
</compile_context>

<pallas_src>
import functools

import jax
import jax.numpy as jnp
from jax import lax
from jax.experimental import pallas as pl
from jax.experimental.pallas import tpu as pltpu
from jax.experimental.pallas import tpu_sc as plsc

_H = 768
_TOPK = 50
_KPAD = 56
_MIN_SIG = 0.05
_B, _N, _P, _S = 4, 8, 8, 16
_NPS = _N * _P * _S
_HH = _H // 2

_PREC = lax.Precision.DEFAULT

_NC, _NS = 2, 16
_NW = _NC * _NS
_ROWS_PER_W = 8
_PAD_ROWS = _NW * _ROWS_PER_W


def _bf(x):
    return x.astype(jnp.bfloat16).astype(jnp.float32)


def _dot(a, b):
    return lax.dot_general(a.astype(jnp.bfloat16), b.astype(jnp.bfloat16),
                           (((1,), (0,)), ((), ())), precision=_PREC,
                           preferred_element_type=jnp.float32)


def _score_body(emb_ref, doc_ref, pos_ref, wp_ref, bp_ref, w1a_ref, w1b_ref,
                w1c_ref, b1_ref, w2_ref, b2_ref, out_ref):
    emb = emb_ref[...]
    doc = doc_ref[0]
    pos = pos_ref[...]

    pooled = (jnp.sum(doc, axis=0, keepdims=True) - doc) * (1.0 / (_N - 1))
    base = jnp.tanh(_dot(pooled, wp_ref[...]) + bp_ref[...])
    pred = (base.reshape(_N, 1, _H) + pos.reshape(1, _S, _H)).reshape(
        _N * _S, _H)
    pnorm = jnp.clip(jnp.sqrt(jnp.sum(pred * pred, axis=1, keepdims=True)),
                     1e-12, None)
    pn = pred / pnorm
    pn_w1 = _dot(pn, w1b_ref[...])

    anorm = jnp.clip(jnp.sqrt(jnp.sum(emb * emb, axis=1, keepdims=True)),
                     1e-12, None)
    an = emb / anorm
    a_w1 = _dot(an, w1a_ref[...])

    pnb = jnp.broadcast_to(pn.reshape(_N, 1, _S, _H),
                           (_N, _P, _S, _H)).reshape(_NPS, _H)
    cos = jnp.sum(an * pnb, axis=1, keepdims=True)
    cdis = jnp.clip(1.0 - cos, 0.0, 2.0) * 0.5

    pn_w1b = jnp.broadcast_to(pn_w1.reshape(_N, 1, _S, _HH),
                              (_N, _P, _S, _HH)).reshape(_NPS, _HH)
    h_pre = a_w1 + pn_w1b + _bf(cdis) * _bf(w1c_ref[...]) + b1_ref[...]
    h = 0.5 * h_pre * (1.0 + lax.erf(h_pre * (2.0 ** -0.5)))
    d0 = _dot(h, w2_ref[...])[:, 0:1]
    refined = jax.nn.sigmoid(d0 + b2_ref[...])
    score = 0.5 * cdis + 0.5 * refined
    out_ref[...] = jnp.concatenate(
        [score, cos, cdis, a_w1[:, 0:1], pn_w1b[:, 0:1], h_pre[:, 0:1],
         h[:, 0:1], d0], axis=1).reshape(1, _NPS, 8)


def _scores_call(emb_flat, doc, pos, wp, bp, w1a, w1b, w1c, b1, w2p, b2):
    spec_w = lambda shape: pl.BlockSpec(shape, lambda b: (0,) * len(shape))
    return pl.pallas_call(
        _score_body,
        grid=(_B,),
        in_specs=[
            pl.BlockSpec((_NPS, _H), lambda b: (b, 0)),
            pl.BlockSpec((1, _N, _H), lambda b: (b, 0, 0)),
            spec_w((_S, _H)),
            spec_w((_H, _H)),
            spec_w((1, _H)),
            spec_w((_H, _HH)),
            spec_w((_H, _HH)),
            spec_w((1, _HH)),
            spec_w((1, _HH)),
            spec_w((_HH, 128)),
            spec_w((1, 1)),
        ],
        out_specs=pl.BlockSpec((1, _NPS, 8), lambda b: (b, 0, 0)),
        out_shape=jax.ShapeDtypeStruct((_B, _NPS, 8), jnp.float32),
    )(emb_flat, doc, pos, wp, bp, w1a, w1b, w1c, b1, w2p, b2)


def _topk_body(srow_ref, scol_ref, sal_ref, psal_ref, sc_ref, w_ref, idx_ref,
               salc_ref):
    b = pl.program_id(0)
    srow = srow_ref[0]
    scol = scol_ref[0]

    smin = jnp.min(srow)
    smax = jnp.max(srow)
    spread = smax - smin
    is_norm = spread > _MIN_SIG
    denom = 1.0 / jnp.clip(spread, 1e-9, None)
    sal_row = jnp.where(is_norm, (srow - smin) * denom,
                        jnp.full_like(srow, 1.0 / _NPS))
    sal_col = jnp.where(is_norm, (scol - smin) * denom,
                        jnp.full_like(scol, 1.0 / _NPS))
    sal_ref[...] = sal_row.reshape(1, 1, _NPS)
    salc_ref[...] = sal_col

    psal = jnp.maximum(
        jnp.max(sal_col.reshape(_N * _P, _S, 1), axis=1), 0.0)
    psal_ref[...] = psal.reshape(1, _N * _P, 1)

    _CH = 64
    jj_ch = lax.broadcasted_iota(jnp.int32, (_CH, _NPS), 1)
    ii_ch = lax.broadcasted_iota(jnp.int32, (_CH, _NPS), 0)

    def _count_body(c, colsum):
        s16 = salc_ref[pl.ds(c * _CH, _CH), :]
        ii16 = c * _CH + ii_ch
        beats = (sal_row > s16) | ((sal_row == s16) & (jj_ch < ii16))
        return colsum + jnp.sum(beats.astype(jnp.float32), axis=0,
                                keepdims=True)

    colsum = lax.fori_loop(0, _NPS // _CH, _count_body,
                           jnp.zeros((1, _NPS), jnp.float32), unroll=2)
    rank_row = (_NPS - 1.0) - colsum

    jj_row = lax.broadcasted_iota(jnp.int32, (8, _NPS), 1)
    ii_base = lax.broadcasted_iota(jnp.int32, (8, _NPS), 0)
    jj_f = jj_row.astype(jnp.float32)
    sc_parts = []
    ix_parts = []
    for c in range(_KPAD // 8):
        kk8 = (c * 8 + ii_base).astype(jnp.float32)
        oh = rank_row == kk8
        sc_parts.append(jnp.sum(jnp.where(oh, sal_row, 0.0), axis=1,
                                keepdims=True))
        ix_parts.append(jnp.sum(jnp.where(oh, jj_f, 0.0), axis=1,
                                keepdims=True))
    topk_sc = jnp.concatenate(sc_parts, axis=0)
    topk_if = jnp.concatenate(ix_parts, axis=0)
    sc_ref[...] = topk_sc.reshape(1, _KPAD, 1)
    idx_ref[...] = (topk_if.astype(jnp.int32) + b * _NPS).reshape(1, _KPAD, 1)

    kmask = lax.broadcasted_iota(jnp.int32, (_KPAD, 1), 0) < _TOPK
    wmax = jnp.max(jnp.where(kmask, topk_sc, -jnp.inf), axis=0, keepdims=True)
    wexp = jnp.where(kmask, jnp.exp(topk_sc - wmax), 0.0)
    w = wexp / jnp.sum(wexp, axis=0, keepdims=True)
    w_ref[...] = w.reshape(1, _KPAD, 1)


def _topk_call(scores):
    s_row = scores.reshape(_B, 1, _NPS)
    return pl.pallas_call(
        _topk_body,
        grid=(_B,),
        in_specs=[
            pl.BlockSpec((1, 1, _NPS), lambda b: (b, 0, 0)),
            pl.BlockSpec((1, _NPS, 1), lambda b: (b, 0, 0)),
        ],
        out_specs=[
            pl.BlockSpec((1, 1, _NPS), lambda b: (b, 0, 0)),
            pl.BlockSpec((1, _N * _P, 1), lambda b: (b, 0, 0)),
            pl.BlockSpec((1, _KPAD, 1), lambda b: (b, 0, 0)),
            pl.BlockSpec((1, _KPAD, 1), lambda b: (b, 0, 0)),
            pl.BlockSpec((1, _KPAD, 1), lambda b: (b, 0, 0)),
        ],
        out_shape=[
            jax.ShapeDtypeStruct((_B, 1, _NPS), jnp.float32),
            jax.ShapeDtypeStruct((_B, _N * _P, 1), jnp.float32),
            jax.ShapeDtypeStruct((_B, _KPAD, 1), jnp.float32),
            jax.ShapeDtypeStruct((_B, _KPAD, 1), jnp.float32),
            jax.ShapeDtypeStruct((_B, _KPAD, 1), jnp.int32),
        ],
        scratch_shapes=[pltpu.VMEM((_NPS, 1), jnp.float32)],
    )(s_row, scores)


def _gather_topk(table, idx_pad):
    mesh = plsc.VectorSubcoreMesh(core_axis_name="c", subcore_axis_name="s")

    @functools.partial(
        pl.kernel, mesh=mesh,
        out_type=jax.ShapeDtypeStruct((_PAD_ROWS, _H), jnp.float32),
        scratch_types=[
            pltpu.VMEM((_ROWS_PER_W,), jnp.int32),
            pltpu.VMEM((_ROWS_PER_W, _H), jnp.float32),
            pltpu.SemaphoreType.DMA,
        ],
    )
    def k(table_hbm, idx_hbm, out_hbm, idx_v, rows_v, sem):
        wid = lax.axis_index("s") * _NC + lax.axis_index("c")
        base = wid * _ROWS_PER_W
        pltpu.sync_copy(idx_hbm.at[pl.ds(base, _ROWS_PER_W)], idx_v)
        pltpu.async_copy(table_hbm.at[idx_v], rows_v, sem).wait()
        pltpu.sync_copy(rows_v, out_hbm.at[pl.ds(base, _ROWS_PER_W)])

    return k(table, idx_pad)


def kernel(sentence_embs, paragraph_embs, document_embs, sent_valid_mask,
           para_valid_mask, Wp, bp, pos_emb, W1, b1, W2, b2):
    emb_flat = sentence_embs.reshape(_B * _NPS, _H)
    w1a = W1[:_H, :]
    w1b = W1[_H:2 * _H, :]
    w1c = W1[2 * _H:, :]
    w2p = jnp.zeros((_HH, 128), jnp.float32).at[:, 0:1].set(W2)

    scores8 = _scores_call(emb_flat, document_embs, pos_emb, Wp,
                           bp.reshape(1, _H), w1a, w1b, w1c,
                           b1.reshape(1, _HH), w2p, b2.reshape(1, 1))
    scores = scores8[:, :, 0:1]

    sal, psal, topk_sc, topk_w, topk_idx = _topk_call(scores)

    idx_flat = topk_idx.reshape(_B, _KPAD)[:, :_TOPK].reshape(_B * _TOPK)
    idx_pad = jnp.zeros((_PAD_ROWS,), jnp.int32).at[:_B * _TOPK].set(idx_flat)
    gathered = _gather_topk(emb_flat, idx_pad)

    return (sal.reshape(_B, _N, _P, _S),
            psal.reshape(_B, _N, _P),
            gathered[:_B * _TOPK].reshape(_B, _TOPK, _H),
            topk_w.reshape(_B, _KPAD)[:, :_TOPK],
            topk_sc.reshape(_B, _KPAD)[:, :_TOPK])

# --- scband reference (transcript-rebuilt; emitter-appended) ---
"""Pipeline reference for scband-jepaguided-salience-estimator-2164663517835 (READ-ONLY COPY).

The authoritative reference and input builder live on the scoring server;
editing this copy changes nothing except your own understanding.
"""

import jax, jax.numpy as jnp
import numpy as np

HID = 768
TOPK = 50
TEMP = 1.0
MIN_SIG = 0.05
B, N, P, S = 4, 8, 8, 16


def setup_inputs(seed: int = 0) -> dict:
    key = jax.random.key(seed)
    ks = jax.random.split(key, 10)
    H = HID
    sentence_embs = jax.random.normal(ks[0], (B, N, P, S, H), dtype=jnp.float32)
    paragraph_embs = jax.random.normal(ks[1], (B, N, P, H), dtype=jnp.float32)
    document_embs = jax.random.normal(ks[2], (B, N, H), dtype=jnp.float32)
    sent_valid_mask = jnp.ones((B, N, P, S), dtype=bool)
    para_valid_mask = jnp.ones((B, N, P), dtype=bool)
    # sent_predictor params (simple pooled-context predictor with positional embeddings)
    Wp = jax.random.normal(ks[3], (H, H), dtype=jnp.float32) * 0.02
    bp = jnp.zeros((H,), dtype=jnp.float32)
    pos_emb = jax.random.normal(ks[4], (S, H), dtype=jnp.float32) * 0.02
    # score_refiner: Linear(2H+1 -> H//2), GELU, Linear(H//2 -> 1), Sigmoid
    W1 = jax.random.normal(ks[5], (2 * H + 1, H // 2), dtype=jnp.float32) * 0.02
    b1 = jnp.zeros((H // 2,), dtype=jnp.float32)
    W2 = jax.random.normal(ks[6], (H // 2, 1), dtype=jnp.float32) * 0.02
    b2 = jnp.zeros((1,), dtype=jnp.float32)
    return {
        'sentence_embs': sentence_embs,
        'paragraph_embs': paragraph_embs,
        'document_embs': document_embs,
        'sent_valid_mask': sent_valid_mask,
        'para_valid_mask': para_valid_mask,
        'Wp': Wp, 'bp': bp, 'pos_emb': pos_emb,
        'W1': W1, 'b1': b1, 'W2': W2, 'b2': b2,
    }


def _l2norm(x):
    return x / jnp.clip(jnp.linalg.norm(x, axis=-1, keepdims=True), 1e-12, None)


def _forward(sentence_embs, document_embs, Wp, bp, pos_emb, W1, b1, W2, b2,
             sent_valid_mask, para_valid_mask):
    Bb, Nn, Pp, Ss, H = sentence_embs.shape
    smask = sent_valid_mask.astype(jnp.float32)
    doc_scores = []
    for doc_i in range(Nn):
        ctx = jnp.concatenate([document_embs[:, :doc_i], document_embs[:, doc_i + 1:]], axis=1)
        pooled = ctx.mean(axis=1)
        base = jnp.tanh(pooled @ Wp + bp)
        para_scores = []
        for para_j in range(Pp):
            n_s = Ss  # masks are all-ones
            pred = base[:, None, :] + pos_emb[None, :n_s, :]
            actual = sentence_embs[:, doc_i, para_j, :n_s, :]
            a_n = _l2norm(actual)
            p_n = _l2norm(pred)
            cos_sim = (a_n * p_n).sum(axis=-1)
            cos_dis = jnp.clip(1.0 - cos_sim, 0.0, 2.0) / 2.0
            feat = jnp.concatenate([a_n, p_n, cos_dis[..., None]], axis=-1)
            h = jax.nn.gelu(feat @ W1 + b1, approximate=False)
            refined = jax.nn.sigmoid(h @ W2 + b2)[..., 0]
            score = 0.5 * cos_dis + 0.5 * refined
            para_scores.append(score * smask[:, doc_i, para_j, :n_s])
        doc_scores.append(jnp.stack(para_scores, axis=1))
    scores = jnp.stack(doc_scores, axis=1)  # [B, N, P, S]
    # normalize
    flat = scores.reshape(Bb, -1)
    s_min = flat.min(axis=1, keepdims=True)
    s_max = flat.max(axis=1, keepdims=True)
    spread = s_max - s_min
    mflat = smask.reshape(Bb, -1)
    uniform = mflat / jnp.clip(mflat.sum(axis=1, keepdims=True), 1.0, None)
    normalised = jnp.where(spread > MIN_SIG, (flat - s_min) / jnp.clip(spread, 1e-9, None), uniform)
    sal = normalised.reshape(Bb, Nn, Pp, Ss)
    # paragraph salience (max-pool over sentences)
    masked = jnp.where(sent_valid_mask.astype(bool), sal, -1e9)
    para_sal = jnp.clip(masked.max(axis=-1), 0.0, None)
    # top-k selection
    sc_flat = sal.reshape(Bb, Nn * Pp * Ss)
    emb_flat = sentence_embs.reshape(Bb, Nn * Pp * Ss, H)
    sc_flat = sc_flat * mflat + (1.0 - mflat) * -1e9
    topk_sc, topk_idx = jax.lax.top_k(sc_flat, TOPK)
    topk_emb = jnp.take_along_axis(emb_flat, topk_idx[..., None], axis=1)
    topk_w = jax.nn.softmax(topk_sc / TEMP, axis=1)
    return sal, para_sal, topk_emb, topk_w, topk_sc


def reference(sentence_embs, paragraph_embs, document_embs, sent_valid_mask, para_valid_mask,
              Wp, bp, pos_emb, W1, b1, W2, b2):
    return _forward(sentence_embs, document_embs, Wp, bp, pos_emb, W1, b1, W2, b2,
                    sent_valid_mask, para_valid_mask)

if __name__ == "__main__":
    import jax
    _d = setup_inputs()
    print(jax.jit(kernel)(*tuple(_d.values())))

</pallas_src>

<mosaic_0001>
#map = affine_map<(d0, d1) -> (0, 0)>
#map1 = affine_map<(d0, d1) -> (0)>
module attributes {stable_mosaic.version = 14 : i64} {
  func.func @k(%arg0: i32, %arg1: i32, %arg2: memref<4096x768xf32, #tpu.memory_space<hbm>>, %arg3: memref<256xi32, #tpu.memory_space<hbm>>, %arg4: memref<256x768xf32, #tpu.memory_space<hbm>>, %arg5: memref<8xi32, #tpu.memory_space<vmem>>, %arg6: memref<8x768xf32, #tpu.memory_space<vmem>>, %arg7: memref<!tpu.dma_semaphore, #tpu.memory_space<semaphore_mem>>) attributes {dimension_semantics = [#tpu.dimension_semantics<core_parallel>, #tpu.dimension_semantics<subcore_parallel>], iteration_bounds = array<i64: 2, 16>, scalar_prefetch = 0 : i64, scratch_operands = 3 : i64, tpu.core_type = #tpu.core_type<sc_vector_subcore>, window_params = [{transform_indices = #map}, {transform_indices = #map1}, {transform_indices = #map}]} {
    %mul3A = arith.constant 2 : i32
    %mul3A_0 = arith.muli %arg1, %mul3A : i32
    %add3A = arith.addi %mul3A_0, %arg0 : i32
    %mul3A_1 = arith.constant 8 : i32
    %mul3A_2 = arith.muli %add3A, %mul3A_1 : i32
    "tpu.region"() ({
      %run_scoped3A = tpu.sem_alloc : memref<!tpu.dma_semaphore, #tpu.memory_space<semaphore_mem>>
      %dma_start3A_7 = tpu.memref_slice %arg3[%mul3A_2] : memref<256xi32, #tpu.memory_space<hbm>> -> memref<8xi32, #tpu.memory_space<hbm>>
      %dma_start3A_8 = tpu.memref_slice %arg3[%mul3A_2] : memref<256xi32, #tpu.memory_space<hbm>> -> memref<8xi32, #tpu.memory_space<hbm>>
      tpu.enqueue_dma source(%dma_start3A_8 : memref<8xi32, #tpu.memory_space<hbm>>) target(%arg5 : memref<8xi32, #tpu.memory_space<vmem>>) target_semaphore(%run_scoped3A : memref<!tpu.dma_semaphore, #tpu.memory_space<semaphore_mem>>)
      %dma_wait3A_9 = tpu.memref_slice %arg3[%mul3A_2] : memref<256xi32, #tpu.memory_space<hbm>> -> memref<8xi32, #tpu.memory_space<hbm>>
      %dma_wait3A_10 = tpu.memref_slice %arg3[%mul3A_2] : memref<256xi32, #tpu.memory_space<hbm>> -> memref<8xi32, #tpu.memory_space<hbm>>
      tpu.wait_dma2 semaphore(%run_scoped3A : memref<!tpu.dma_semaphore, #tpu.memory_space<semaphore_mem>>) src(%dma_wait3A_10 : memref<8xi32, #tpu.memory_space<hbm>>) dst(%arg5 : memref<8xi32, #tpu.memory_space<vmem>>)
      tpu.yield
    }) : () -> ()
    %dma_start3A = arith.constant 0 : i32
    %dma_start3A_3 = arith.constant 0 : i32
    %dma_start3A_4 = tpu.memref_slice %arg2[%dma_start3A, %dma_start3A_3] : memref<4096x768xf32, #tpu.memory_space<hbm>> -> memref<4096x768xf32, #tpu.memory_space<hbm>>
    tpu.enqueue_indirect_dma source(%dma_start3A_4 : memref<4096x768xf32, #tpu.memory_space<hbm>>) target(%arg6 : memref<8x768xf32, #tpu.memory_space<vmem>>) offsets(%arg5 : memref<8xi32, #tpu.memory_space<vmem>>) semaphore(%arg7 : memref<!tpu.dma_semaphore, #tpu.memory_space<semaphore_mem>>)
    %dma_wait3A = arith.constant 0 : i32
    %dma_wait3A_5 = arith.constant 0 : i32
    %dma_wait3A_6 = tpu.memref_slice %arg2[%dma_wait3A, %dma_wait3A_5] : memref<4096x768xf32, #tpu.memory_space<hbm>> -> memref<4096x768xf32, #tpu.memory_space<hbm>>
    tpu.wait_indirect_dma semaphore(%arg7 : memref<!tpu.dma_semaphore, #tpu.memory_space<semaphore_mem>>) src(%dma_wait3A_6 : memref<4096x768xf32, #tpu.memory_space<hbm>>) dst(%arg6 : memref<8x768xf32, #tpu.memory_space<vmem>>)
    "tpu.region"() ({
      %run_scoped3A = tpu.sem_alloc : memref<!tpu.dma_semaphore, #tpu.memory_space<semaphore_mem>>
      %dma_start3A_7 = arith.constant 0 : i32
      %dma_start3A_8 = tpu.memref_slice %arg4[%mul3A_2, %dma_start3A_7] : memref<256x768xf32, #tpu.memory_space<hbm>> -> memref<8x768xf32, #tpu.memory_space<hbm>>
      %dma_start3A_9 = arith.constant 0 : i32
      %dma_start3A_10 = tpu.memref_slice %arg4[%mul3A_2, %dma_start3A_9] : memref<256x768xf32, #tpu.memory_space<hbm>> -> memref<8x768xf32, #tpu.memory_space<hbm>>
      tpu.enqueue_dma source(%arg6 : memref<8x768xf32, #tpu.memory_space<vmem>>) target(%dma_start3A_10 : memref<8x768xf32, #tpu.memory_space<hbm>>) target_semaphore(%run_scoped3A : memref<!tpu.dma_semaphore, #tpu.memory_space<semaphore_mem>>)
      %dma_wait3A_11 = arith.constant 0 : i32
      %dma_wait3A_12 = tpu.memref_slice %arg4[%mul3A_2, %dma_wait3A_11] : memref<256x768xf32, #tpu.memory_space<hbm>> -> memref<8x768xf32, #tpu.memory_space<hbm>>
      %dma_wait3A_13 = arith.constant 0 : i32
      %dma_wait3A_14 = tpu.memref_slice %arg4[%mul3A_2, %dma_wait3A_13] : memref<256x768xf32, #tpu.memory_space<hbm>> -> memref<8x768xf32, #tpu.memory_space<hbm>>
      tpu.wait_dma2 semaphore(%run_scoped3A : memref<!tpu.dma_semaphore, #tpu.memory_space<semaphore_mem>>) src(%arg6 : memref<8x768xf32, #tpu.memory_space<vmem>>) dst(%dma_wait3A_14 : memref<8x768xf32, #tpu.memory_space<hbm>>)
      tpu.yield
    }) : () -> ()
    return
  }
}

module attributes {stable_mosaic.version = 14 : i64} {
  func.func @_score_body(%arg0: i32, %arg1: memref<1024x768xf32, #tpu.memory_space<vmem>>, %arg2: memref<1x8x768xf32, #tpu.memory_space<vmem>>, %arg3: memref<16x768xf32, #tpu.memory_space<vmem>>, %arg4: memref<768x768xf32, #tpu.memory_space<vmem>>, %arg5: memref<1x768xf32, #tpu.memory_space<vmem>>, %arg6: memref<768x384xf32, #tpu.memory_space<vmem>>, %arg7: memref<768x384xf32, #tpu.memory_space<vmem>>, %arg8: memref<1x384xf32, #tpu.memory_space<vmem>>, %arg9: memref<1x384xf32, #tpu.memory_space<vmem>>, %arg10: memref<384x128xf32, #tpu.memory_space<vmem>>, %arg11: memref<1x1xf32, #tpu.memory_space<vmem>>, %arg12: memref<1x1024x8xf32, #tpu.memory_space<vmem>>) attributes {dimension_semantics = [#tpu.dimension_semantics<arbitrary>], iteration_bounds = array<i64: 4>, scalar_prefetch = 0 : i64, scratch_operands = 0 : i64, tpu.core_type = #tpu.core_type<tc>, window_params = [{transform_indices = @transform_0, window_bounds = array<i64: 1024, 768>}, {transform_indices = @transform_1, window_bounds = array<i64: 1, 8, 768>}, {pipeline_mode = #tpu.pipeline_mode<synchronous>, transform_indices = @transform_2, window_bounds = array<i64: 16, 768>}, {pipeline_mode = #tpu.pipeline_mode<synchronous>, transform_indices = @transform_3, window_bounds = array<i64: 768, 768>}, {pipeline_mode = #tpu.pipeline_mode<synchronous>, transform_indices = @transform_4, window_bounds = array<i64: 1, 768>}, {pipeline_mode = #tpu.pipeline_mode<synchronous>, transform_indices = @transform_5, window_bounds = array<i64: 768, 384>}, {pipeline_mode = #tpu.pipeline_mode<synchronous>, transform_indices = @transform_6, window_bounds = array<i64: 768, 384>}, {pipeline_mode = #tpu.pipeline_mode<synchronous>, transform_indices = @transform_7, window_bounds = array<i64: 1, 384>}, {pipeline_mode = #tpu.pipeline_mode<synchronous>, transform_indices = @transform_8, window_bounds = array<i64: 1, 384>}, {pipeline_mode = #tpu.pipeline_mode<synchronous>, transform_indices = @transform_9, window_bounds = array<i64: 384, 128>}, {pipeline_mode = #tpu.pipeline_mode<synchronous>, transform_indices = @transform_10, window_bounds = array<i64: 1, 1>}, {transform_indices = @transform_11, window_bounds = array<i64: 1, 1024, 8>}]} {
    %get3A = arith.constant 0 : index
    %get3A_0 = arith.constant 0 : index
    %get3A_1 = vector.load %arg1[%get3A, %get3A_0] : memref<1024x768xf32, #tpu.memory_space<vmem>>, vector<1024x768xf32>
    %get3A_2 = arith.constant 0 : index
    %get3A_3 = arith.constant 0 : index
    %get3A_4 = arith.constant 0 : index
    %get3A_5 = vector.load %arg2[%get3A_2, %get3A_3, %get3A_4] : memref<1x8x768xf32, #tpu.memory_space<vmem>>, vector<1x8x768xf32>
    %get3A_6 = vector.shape_cast %get3A_5 : vector<1x8x768xf32> to vector<8x768xf32>
    %get3A_7 = arith.constant 0 : index
    %get3A_8 = arith.constant 0 : index
    %get3A_9 = vector.load %arg3[%get3A_7, %get3A_8] : memref<16x768xf32, #tpu.memory_space<vmem>>, vector<16x768xf32>
    %reduce_sum3A = arith.constant dense<0.000000e+00> : vector<768xf32>
    %reduce_sum3A_10 = vector.multi_reduction <add>, %get3A_6, %reduce_sum3A [0] : vector<8x768xf32> to vector<768xf32>
    %broadcast_in_dim3A = vector.shape_cast %reduce_sum3A_10 : vector<768xf32> to vector<1x768xf32>
    %sub3A = vector.broadcast %broadcast_in_dim3A : vector<1x768xf32> to vector<8x768xf32>
    %sub3A_11 = arith.subf %sub3A, %get3A_6 : vector<8x768xf32>
    %mul3A = arith.constant 0.142857149 : f32
    %mul3A_12 = vector.broadcast %mul3A : f32 to vector<8x768xf32>
    %mul3A_13 = arith.mulf %sub3A_11, %mul3A_12 : vector<8x768xf32>
    %get3A_14 = arith.constant 0 : index
    %get3A_15 = arith.constant 0 : index
    %get3A_16 = vector.load %arg4[%get3A_14, %get3A_15] : memref<768x768xf32, #tpu.memory_space<vmem>>, vector<768x768xf32>
    %convert_element_type3A = arith.truncf %mul3A_13 : vector<8x768xf32> to vector<8x768xbf16>
    %convert_element_type3A_17 = arith.truncf %get3A_16 : vector<768x768xf32> to vector<768x768xbf16>
    %dot_general3A = arith.constant dense<0.000000e+00> : vector<8x768xf32>
    %dot_general3A_18 = tpu.matmul %convert_element_type3A, %convert_element_type3A_17, %dot_general3A {dimension_numbers = #tpu.dot_dimension_numbers<[1], [0], [0], [1], [0, 0, 1, 1], [], []>, transpose_lhs_hint = false} : vector<8x768xbf16>, vector<768x768xbf16>, vector<8x768xf32> -> vector<8x768xf32>
    %get3A_19 = arith.constant 0 : index
    %get3A_20 = arith.constant 0 : index
    %get3A_21 = vector.load %arg5[%get3A_19, %get3A_20] : memref<1x768xf32, #tpu.memory_space<vmem>>, vector<1x768xf32>
    %add3A = vector.broadcast %get3A_21 : vector<1x768xf32> to vector<8x768xf32>
    %add3A_22 = arith.addf %dot_general3A_18, %add3A : vector<8x768xf32>
    %tanh3A = math.tanh %add3A_22 : vector<8x768xf32>
    %reshape3A = vector.shape_cast %tanh3A : vector<8x768xf32> to vector<8x1x768xf32>
    %reshape3A_23 = vector.shape_cast %get3A_9 : vector<16x768xf32> to vector<1x16x768xf32>
    %add3A_24 = vector.broadcast %reshape3A : vector<8x1x768xf32> to vector<8x16x768xf32>
    %add3A_25 = vector.broadcast %reshape3A_23 : vector<1x16x768xf32> to vector<8x16x768xf32>
    %add3A_26 = arith.addf %add3A_24, %add3A_25 : vector<8x16x768xf32>
    %reshape3A_27 = vector.shape_cast %add3A_26 : vector<8x16x768xf32> to vector<128x768xf32>
    %mul3A_28 = arith.mulf %reshape3A_27, %reshape3A_27 : vector<128x768xf32>
    %reduce_sum3A_29 = arith.constant dense<0.000000e+00> : vector<128xf32>
    %reduce_sum3A_30 = vector.multi_reduction <add>, %mul3A_28, %reduce_sum3A_29 [1] : vector<128x768xf32> to vector<128xf32>
    %broadcast_in_dim3A_31 = vector.shape_cast %reduce_sum3A_30 : vector<128xf32> to vector<128x1xf32>
    %sqrt3A = math.sqrt %broadcast_in_dim3A_31 : vector<128x1xf32>
    %jit3A = arith.constant 9.99999996E-13 : f32
    %max3A = vector.broadcast %jit3A : f32 to vector<128x1xf32>
    %max3A_32 = arith.maximumf %max3A, %sqrt3A : vector<128x1xf32>
    %div3A = vector.broadcast %max3A_32 : vector<128x1xf32> to vector<128x768xf32>
    %div3A_33 = arith.divf %reshape3A_27, %div3A : vector<128x768xf32>
    %get3A_34 = arith.constant 0 : index
    %get3A_35 = arith.constant 0 : index
    %get3A_36 = vector.load %arg7[%get3A_34, %get3A_35] : memref<768x384xf32, #tpu.memory_space<vmem>>, vector<768x384xf32>
    %convert_element_type3A_37 = arith.truncf %div3A_33 : vector<128x768xf32> to vector<128x768xbf16>
    %convert_element_type3A_38 = arith.truncf %get3A_36 : vector<768x384xf32> to vector<768x384xbf16>
    %dot_general3A_39 = arith.constant dense<0.000000e+00> : vector<128x384xf32>
    %dot_general3A_40 = tpu.matmul %convert_element_type3A_37, %convert_element_type3A_38, %dot_general3A_39 {dimension_numbers = #tpu.dot_dimension_numbers<[1], [0], [0], [1], [0, 0, 1, 1], [], []>, transpose_lhs_hint = false} : vector<128x768xbf16>, vector<768x384xbf16>, vector<128x384xf32> -> vector<128x384xf32>
    %mul3A_41 = arith.mulf %get3A_1, %get3A_1 : vector<1024x768xf32>
    %reduce_sum3A_42 = arith.constant dense<0.000000e+00> : vector<1024xf32>
    %reduce_sum3A_43 = vector.multi_reduction <add>, %mul3A_41, %reduce_sum3A_42 [1] : vector<1024x768xf32> to vector<1024xf32>
    %broadcast_in_dim3A_44 = vector.shape_cast %reduce_sum3A_43 : vector<1024xf32> to vector<1024x1xf32>
    %sqrt3A_45 = math.sqrt %broadcast_in_dim3A_44 : vector<1024x1xf32>
    %jit3A_46 = arith.constant 9.99999996E-13 : f32
    %max3A_47 = vector.broadcast %jit3A_46 : f32 to vector<1024x1xf32>
    %max3A_48 = arith.maximumf %max3A_47, %sqrt3A_45 : vector<1024x1xf32>
    %div3A_49 = vector.broadcast %max3A_48 : vector<1024x1xf32> to vector<1024x768xf32>
    %div3A_50 = arith.divf %get3A_1, %div3A_49 : vector<1024x768xf32>
    %get3A_51 = arith.constant 0 : index
    %get3A_52 = arith.constant 0 : index
    %get3A_53 = vector.load %arg6[%get3A_51, %get3A_52] : memref<768x384xf32, #tpu.memory_space<vmem>>, vector<768x384xf32>
    %convert_element_type3A_54 = arith.truncf %div3A_50 : vector<1024x768xf32> to vector<1024x768xbf16>
    %convert_element_type3A_55 = arith.truncf %get3A_53 : vector<768x384xf32> to vector<768x384xbf16>
    %dot_general3A_56 = arith.constant dense<0.000000e+00> : vector<1024x384xf32>
    %dot_general3A_57 = tpu.matmul %convert_element_type3A_54, %convert_element_type3A_55, %dot_general3A_56 {dimension_numbers = #tpu.dot_dimension_numbers<[1], [0], [0], [1], [0, 0, 1, 1], [], []>, transpose_lhs_hint = false} : vector<1024x768xbf16>, vector<768x384xbf16>, vector<1024x384xf32> -> vector<1024x384xf32>
    %reshape3A_58 = vector.shape_cast %div3A_33 : vector<128x768xf32> to vector<8x1x16x768xf32>
    %broadcast_in_dim3A_59 = vector.shape_cast %reshape3A_58 : vector<8x1x16x768xf32> to vector<8x1x16x768xf32>
    %broadcast_in_dim3A_60 = vector.broadcast %broadcast_in_dim3A_59 : vector<8x1x16x768xf32> to vector<8x8x16x768xf32>
    %reshape3A_61 = vector.shape_cast %broadcast_in_dim3A_60 : vector<8x8x16x768xf32> to vector<1024x768xf32>
    %mul3A_62 = arith.mulf %div3A_50, %reshape3A_61 : vector<1024x768xf32>
    %reduce_sum3A_63 = arith.constant dense<0.000000e+00> : vector<1024xf32>
    %reduce_sum3A_64 = vector.multi_reduction <add>, %mul3A_62, %reduce_sum3A_63 [1] : vector<1024x768xf32> to vector<1024xf32>
    %broadcast_in_dim3A_65 = vector.shape_cast %reduce_sum3A_64 : vector<1024xf32> to vector<1024x1xf32>
    %sub3A_66 = arith.constant 1.000000e+00 : f32
    %sub3A_67 = vector.broadcast %sub3A_66 : f32 to vector<1024x1xf32>
    %sub3A_68 = arith.subf %sub3A_67, %broadcast_in_dim3A_65 : vector<1024x1xf32>
    %jit3A_69 = arith.constant 0.000000e+00 : f32
    %jit3A_70 = arith.constant 2.000000e+00 : f32
    %max3A_71 = vector.broadcast %jit3A_69 : f32 to vector<1024x1xf32>
    %max3A_72 = arith.maximumf %max3A_71, %sub3A_68 : vector<1024x1xf32>
    %min3A = vector.broadcast %jit3A_70 : f32 to vector<1024x1xf32>
    %min3A_73 = arith.minimumf %min3A, %max3A_72 : vector<1024x1xf32>
    %mul3A_74 = arith.constant 5.000000e-01 : f32
    %mul3A_75 = vector.broadcast %mul3A_74 : f32 to vector<1024x1xf32>
    %mul3A_76 = arith.mulf %min3A_73, %mul3A_75 : vector<1024x1xf32>
    %reshape3A_77 = vector.shape_cast %dot_general3A_40 : vector<128x384xf32> to vector<8x1x16x384xf32>
    %broadcast_in_dim3A_78 = vector.shape_cast %reshape3A_77 : vector<8x1x16x384xf32> to vector<8x1x16x384xf32>
    %broadcast_in_dim3A_79 = vector.broadcast %broadcast_in_dim3A_78 : vector<8x1x16x384xf32> to vector<8x8x16x384xf32>
    %reshape3A_80 = vector.shape_cast %broadcast_in_dim3A_79 : vector<8x8x16x384xf32> to vector<1024x384xf32>
    %add3A_81 = arith.addf %dot_general3A_57, %reshape3A_80 : vector<1024x384xf32>
    %convert_element_type3A_82 = arith.truncf %mul3A_76 : vector<1024x1xf32> to vector<1024x1xbf16>
    %convert_element_type3A_83 = arith.extf %convert_element_type3A_82 : vector<1024x1xbf16> to vector<1024x1xf32>
    %get3A_84 = arith.constant 0 : index
    %get3A_85 = arith.constant 0 : index
    %get3A_86 = vector.load %arg8[%get3A_84, %get3A_85] : memref<1x384xf32, #tpu.memory_space<vmem>>, vector<1x384xf32>
    %convert_element_type3A_87 = arith.truncf %get3A_86 : vector<1x384xf32> to vector<1x384xbf16>
    %convert_element_type3A_88 = arith.extf %convert_element_type3A_87 : vector<1x384xbf16> to vector<1x384xf32>
    %mul3A_89 = vector.broadcast %convert_element_type3A_83 : vector<1024x1xf32> to vector<1024x384xf32>
    %mul3A_90 = vector.broadcast %convert_element_type3A_88 : vector<1x384xf32> to vector<1024x384xf32>
    %mul3A_91 = arith.mulf %mul3A_89, %mul3A_90 : vector<1024x384xf32>
    %add3A_92 = arith.addf %add3A_81, %mul3A_91 : vector<1024x384xf32>
    %get3A_93 = arith.constant 0 : index
    %get3A_94 = arith.constant 0 : index
    %get3A_95 = vector.load %arg9[%get3A_93, %get3A_94] : memref<1x384xf32, #tpu.memory_space<vmem>>, vector<1x384xf32>
    %add3A_96 = vector.broadcast %get3A_95 : vector<1x384xf32> to vector<1024x384xf32>
    %add3A_97 = arith.addf %add3A_92, %add3A_96 : vector<1024x384xf32>
    %mul3A_98 = arith.constant 5.000000e-01 : f32
    %mul3A_99 = vector.broadcast %mul3A_98 : f32 to vector<1024x384xf32>
    %mul3A_100 = arith.mulf %mul3A_99, %add3A_97 : vector<1024x384xf32>
    %mul3A_101 = arith.constant 0.707106769 : f32
    %mul3A_102 = vector.broadcast %mul3A_101 : f32 to vector<1024x384xf32>
    %mul3A_103 = arith.mulf %add3A_97, %mul3A_102 : vector<1024x384xf32>
    %erf3A = math.erf %mul3A_103 : vector<1024x384xf32>
    %add3A_104 = arith.constant 1.000000e+00 : f32
    %add3A_105 = vector.broadcast %add3A_104 : f32 to vector<1024x384xf32>
    %add3A_106 = arith.addf %add3A_105, %erf3A : vector<1024x384xf32>
    %mul3A_107 = arith.mulf %mul3A_100, %add3A_106 : vector<1024x384xf32>
    %get3A_108 = arith.constant 0 : index
    %get3A_109 = arith.constant 0 : index
    %get3A_110 = vector.load %arg10[%get3A_108, %get3A_109] : memref<384x128xf32, #tpu.memory_space<vmem>>, vector<384x128xf32>
    %convert_element_type3A_111 = arith.truncf %mul3A_107 : vector<1024x384xf32> to vector<1024x384xbf16>
    %convert_element_type3A_112 = arith.truncf %get3A_110 : vector<384x128xf32> to vector<384x128xbf16>
    %dot_general3A_113 = arith.constant dense<0.000000e+00> : vector<1024x128xf32>
    %dot_general3A_114 = tpu.matmul %convert_element_type3A_111, %convert_element_type3A_112, %dot_general3A_113 {dimension_numbers = #tpu.dot_dimension_numbers<[1], [0], [0], [1], [0, 0, 1, 1], [], []>, transpose_lhs_hint = false} : vector<1024x384xbf16>, vector<384x128xbf16>, vector<1024x128xf32> -> vector<1024x128xf32>
    %slice3A = vector.extract_strided_slice %dot_general3A_114 {offsets = [0, 0], sizes = [1024, 1], strides = [1, 1]} : vector<1024x128xf32> to vector<1024x1xf32>
    %get3A_115 = arith.constant 0 : index
    %get3A_116 = arith.constant 0 : index
    %get3A_117 = vector.load %arg11[%get3A_115, %get3A_116] : memref<1x1xf32, #tpu.memory_space<vmem>>, vector<1x1xf32>
    %add3A_118 = vector.broadcast %get3A_117 : vector<1x1xf32> to vector<1024x1xf32>
    %add3A_119 = arith.addf %slice3A, %add3A_118 : vector<1024x1xf32>
    %logistic3A = arith.negf %add3A_119 : vector<1024x1xf32>
    %logistic3A_120 = math.exp %logistic3A : vector<1024x1xf32>
    %logistic3A_121 = arith.constant 1.000000e+00 : f32
    %logistic3A_122 = vector.broadcast %logistic3A_121 : f32 to vector<1024x1xf32>
    %logistic3A_123 = arith.addf %logistic3A_122, %logistic3A_120 : vector<1024x1xf32>
    %logistic3A_124 = arith.divf %logistic3A_122, %logistic3A_123 : vector<1024x1xf32>
    %mul3A_125 = arith.constant 5.000000e-01 : f32
    %mul3A_126 = vector.broadcast %mul3A_125 : f32 to vector<1024x1xf32>
    %mul3A_127 = arith.mulf %mul3A_126, %mul3A_76 : vector<1024x1xf32>
    %mul3A_128 = arith.constant 5.000000e-01 : f32
    %mul3A_129 = vector.broadcast %mul3A_128 : f32 to vector<1024x1xf32>
    %mul3A_130 = arith.mulf %mul3A_129, %logistic3A_124 : vector<1024x1xf32>
    %add3A_131 = arith.addf %mul3A_127, %mul3A_130 : vector<1024x1xf32>
    %slice3A_132 = vector.extract_strided_slice %dot_general3A_57 {offsets = [0, 0], sizes = [1024, 1], strides = [1, 1]} : vector<1024x384xf32> to vector<1024x1xf32>
    %slice3A_133 = vector.extract_strided_slice %reshape3A_80 {offsets = [0, 0], sizes = [1024, 1], strides = [1, 1]} : vector<1024x384xf32> to vector<1024x1xf32>
    %slice3A_134 = vector.extract_strided_slice %add3A_97 {offsets = [0, 0], sizes = [1024, 1], strides = [1, 1]} : vector<1024x384xf32> to vector<1024x1xf32>
    %slice3A_135 = vector.extract_strided_slice %mul3A_107 {offsets = [0, 0], sizes = [1024, 1], strides = [1, 1]} : vector<1024x384xf32> to vector<1024x1xf32>
    %concatenate3A = tpu.concatenate %add3A_131, %broadcast_in_dim3A_65, %mul3A_76, %slice3A_132, %slice3A_133, %slice3A_134, %slice3A_135, %slice3A in 1 : vector<1024x1xf32>, vector<1024x1xf32>, vector<1024x1xf32>, vector<1024x1xf32>, vector<1024x1xf32>, vector<1024x1xf32>, vector<1024x1xf32>, vector<1024x1xf32> -> vector<1024x8xf32>
    %reshape3A_136 = vector.shape_cast %concatenate3A : vector<1024x8xf32> to vector<1x1024x8xf32>
    %swap3A = arith.constant 0 : index
    %swap3A_137 = arith.constant 0 : index
    %swap3A_138 = arith.constant 0 : index
    %swap3A_139 = vector.load %arg12[%swap3A, %swap3A_137, %swap3A_138] : memref<1x1024x8xf32, #tpu.memory_space<vmem>>, vector<1x1024x8xf32>
    tpu.vector_store %arg12[%swap3A, %swap3A_137, %swap3A_138], %reshape3A_136 {strides = array<i32>} : memref<1x1024x8xf32, #tpu.memory_space<vmem>>, vector<1x1024x8xf32>,
    return
  }
  func.func @transform_0(%arg0: i32) -> (i32, i32) {
    %c0_i32 = arith.constant 0 : i32
    %c0_i32_0 = arith.constant 0 : i32
    return %arg0, %c0_i32 : i32, i32
  }
  func.func @transform_1(%arg0: i32) -> (i32, i32, i32) {
    %c0_i32 = arith.constant 0 : i32
    %c0_i32_0 = arith.constant 0 : i32
    %c0_i32_1 = arith.constant 0 : i32
    return %arg0, %c0_i32, %c0_i32_0 : i32, i32, i32
  }
  func.func @transform_2(%arg0: i32) -> (i32, i32) {
    %c0_i32 = arith.constant 0 : i32
    %c0_i32_0 = arith.constant 0 : i32
    %c0_i32_1 = arith.constant 0 : i32
    return %c0_i32, %c0_i32_0 : i32, i32
  }
  func.func @transform_3(%arg0: i32) -> (i32, i32) {
    %c0_i32 = arith.constant 0 : i32
    %c0_i32_0 = arith.constant 0 : i32
    %c0_i32_1 = arith.constant 0 : i32
    return %c0_i32, %c0_i32_0 : i32, i32
  }
  func.func @transform_4(%arg0: i32) -> (i32, i32) {
    %c0_i32 = arith.constant 0 : i32
    %c0_i32_0 = arith.constant 0 : i32
    %c0_i32_1 = arith.constant 0 : i32
    return %c0_i32, %c0_i32_0 : i32, i32
  }
  func.func @transform_5(%arg0: i32) -> (i32, i32) {
    %c0_i32 = arith.constant 0 : i32
    %c0_i32_0 = arith.constant 0 : i32
    %c0_i32_1 = arith.constant 0 : i32
    return %c0_i32, %c0_i32_0 : i32, i32
  }
  func.func @transform_6(%arg0: i32) -> (i32, i32) {
    %c0_i32 = arith.constant 0 : i32
    %c0_i32_0 = arith.constant 0 : i32
    %c0_i32_1 = arith.constant 0 : i32
    return %c0_i32, %c0_i32_0 : i32, i32
  }
  func.func @transform_7(%arg0: i32) -> (i32, i32) {
    %c0_i32 = arith.constant 0 : i32
    %c0_i32_0 = arith.constant 0 : i32
    %c0_i32_1 = arith.constant 0 : i32
    return %c0_i32, %c0_i32_0 : i32, i32
  }
  func.func @transform_8(%arg0: i32) -> (i32, i32) {
    %c0_i32 = arith.constant 0 : i32
    %c0_i32_0 = arith.constant 0 : i32
    %c0_i32_1 = arith.constant 0 : i32
    return %c0_i32, %c0_i32_0 : i32, i32
  }
  func.func @transform_9(%arg0: i32) -> (i32, i32) {
    %c0_i32 = arith.constant 0 : i32
    %c0_i32_0 = arith.constant 0 : i32
    %c0_i32_1 = arith.constant 0 : i32
    return %c0_i32, %c0_i32_0 : i32, i32
  }
  func.func @transform_10(%arg0: i32) -> (i32, i32) {
    %c0_i32 = arith.constant 0 : i32
    %c0_i32_0 = arith.constant 0 : i32
    %c0_i32_1 = arith.constant 0 : i32
    return %c0_i32, %c0_i32_0 : i32, i32
  }
  func.func @transform_11(%arg0: i32) -> (i32, i32, i32) {
    %c0_i32 = arith.constant 0 : i32
    %c0_i32_0 = arith.constant 0 : i32
    %c0_i32_1 = arith.constant 0 : i32
    return %arg0, %c0_i32, %c0_i32_0 : i32, i32, i32
  }
}

module attributes {stable_mosaic.version = 14 : i64} {
  func.func @_topk_body(%arg0: i32, %arg1: memref<1x1x1024xf32, #tpu.memory_space<vmem>>, %arg2: memref<1x1024x1xf32, #tpu.memory_space<vmem>>, %arg3: memref<1x1x1024xf32, #tpu.memory_space<vmem>>, %arg4: memref<1x64x1xf32, #tpu.memory_space<vmem>>, %arg5: memref<1x56x1xf32, #tpu.memory_space<vmem>>, %arg6: memref<1x56x1xf32, #tpu.memory_space<vmem>>, %arg7: memref<1x56x1xi32, #tpu.memory_space<vmem>>, %arg8: memref<1024x1xf32, #tpu.memory_space<vmem>>) attributes {dimension_semantics = [#tpu.dimension_semantics<arbitrary>], iteration_bounds = array<i64: 4>, scalar_prefetch = 0 : i64, scratch_operands = 1 : i64, tpu.core_type = #tpu.core_type<tc>, window_params = [{transform_indices = @transform_0, window_bounds = array<i64: 1, 1, 1024>}, {transform_indices = @transform_1, window_bounds = array<i64: 1, 1024, 1>}, {transform_indices = @transform_2, window_bounds = array<i64: 1, 1, 1024>}, {transform_indices = @transform_3, window_bounds = array<i64: 1, 64, 1>}, {transform_indices = @transform_4, window_bounds = array<i64: 1, 56, 1>}, {transform_indices = @transform_5, window_bounds = array<i64: 1, 56, 1>}, {transform_indices = @transform_6, window_bounds = array<i64: 1, 56, 1>}]} {
    %get3A = arith.constant 0 : index
    %get3A_0 = arith.constant 0 : index
    %get3A_1 = arith.constant 0 : index
    %get3A_2 = vector.load %arg1[%get3A, %get3A_0, %get3A_1] : memref<1x1x1024xf32, #tpu.memory_space<vmem>>, vector<1x1x1024xf32>
    %get3A_3 = vector.shape_cast %get3A_2 : vector<1x1x1024xf32> to vector<1x1024xf32>
    %get3A_4 = arith.constant 0 : index
    %get3A_5 = arith.constant 0 : index
    %get3A_6 = arith.constant 0 : index
    %get3A_7 = vector.load %arg2[%get3A_4, %get3A_5, %get3A_6] : memref<1x1024x1xf32, #tpu.memory_space<vmem>>, vector<1x1024x1xf32>
    %get3A_8 = vector.shape_cast %get3A_7 : vector<1x1024x1xf32> to vector<1024x1xf32>
    %reduce_min3A = vector.shape_cast %get3A_3 : vector<1x1024xf32> to vector<1x1x1024xf32>
    %reduce_min3A_9 = arith.constant dense<0x7F800000> : vector<1xf32>
    %reduce_min3A_10 = vector.multi_reduction <minimumf>, %reduce_min3A, %reduce_min3A_9 [1, 2] : vector<1x1x1024xf32> to vector<1xf32>
    %reduce_min3A_11 = vector.shape_cast %reduce_min3A_10 : vector<1xf32> to vector<1x1x1xf32>
    %reduce_min3A_12 = vector.extract %reduce_min3A_11[0, 0, 0] : f32 from vector<1x1x1xf32>
    %reduce_max3A = vector.shape_cast %get3A_3 : vector<1x1024xf32> to vector<1x1x1024xf32>
    %reduce_max3A_13 = arith.constant dense<0xFF800000> : vector<1xf32>
    %reduce_max3A_14 = vector.multi_reduction <maximumf>, %reduce_max3A, %reduce_max3A_13 [1, 2] : vector<1x1x1024xf32> to vector<1xf32>
    %reduce_max3A_15 = vector.shape_cast %reduce_max3A_14 : vector<1xf32> to vector<1x1x1xf32>
    %reduce_max3A_16 = vector.extract %reduce_max3A_15[0, 0, 0] : f32 from vector<1x1x1xf32>
    %sub3A = arith.subf %reduce_max3A_16, %reduce_min3A_12 : f32
    %gt3A = arith.constant 5.000000e-02 : f32
    %gt3A_17 = arith.cmpf ogt, %sub3A, %gt3A : f32
    %jit3A = arith.constant 9.99999971E-10 : f32
    %max3A = arith.maximumf %jit3A, %sub3A : f32
    %div3A = arith.constant 1.000000e+00 : f32
    %div3A_18 = arith.divf %div3A, %max3A : f32
    %sub3A_19 = vector.broadcast %reduce_min3A_12 : f32 to vector<1x1024xf32>
    %sub3A_20 = arith.subf %get3A_3, %sub3A_19 : vector<1x1024xf32>
    %mul3A = vector.broadcast %div3A_18 : f32 to vector<1x1024xf32>
    %mul3A_21 = arith.mulf %sub3A_20, %mul3A : vector<1x1024xf32>
    %broadcast_in_dim3A = arith.constant 9.765625E-4 : f32
    %broadcast_in_dim3A_22 = vector.broadcast %broadcast_in_dim3A : f32 to vector<1x1024xf32>
    %select_n3A = arith.select %gt3A_17, %mul3A_21, %broadcast_in_dim3A_22 : vector<1x1024xf32>
    %sub3A_23 = vector.broadcast %reduce_min3A_12 : f32 to vector<1024x1xf32>
    %sub3A_24 = arith.subf %get3A_8, %sub3A_23 : vector<1024x1xf32>
    %mul3A_25 = vector.broadcast %div3A_18 : f32 to vector<1024x1xf32>
    %mul3A_26 = arith.mulf %sub3A_24, %mul3A_25 : vector<1024x1xf32>
    %broadcast_in_dim3A_27 = arith.constant 9.765625E-4 : f32
    %broadcast_in_dim3A_28 = vector.broadcast %broadcast_in_dim3A_27 : f32 to vector<1024x1xf32>
    %select_n3A_29 = arith.select %gt3A_17, %mul3A_26, %broadcast_in_dim3A_28 : vector<1024x1xf32>
    %reshape3A = vector.shape_cast %select_n3A : vector<1x1024xf32> to vector<1x1x1024xf32>
    %swap3A = arith.constant 0 : index
    %swap3A_30 = arith.constant 0 : index
    %swap3A_31 = arith.constant 0 : index
    %swap3A_32 = vector.load %arg3[%swap3A, %swap3A_30, %swap3A_31] : memref<1x1x1024xf32, #tpu.memory_space<vmem>>, vector<1x1x1024xf32>
    tpu.vector_store %arg3[%swap3A, %swap3A_30, %swap3A_31], %reshape3A {strides = array<i32>} : memref<1x1x1024xf32, #tpu.memory_space<vmem>>, vector<1x1x1024xf32>,
    %swap3A_33 = arith.constant 0 : index
    %swap3A_34 = arith.constant 0 : index
    %swap3A_35 = vector.load %arg8[%swap3A_33, %swap3A_34] : memref<1024x1xf32, #tpu.memory_space<vmem>>, vector<1024x1xf32>
    tpu.vector_store %arg8[%swap3A_33, %swap3A_34], %select_n3A_29 {strides = array<i32>} : memref<1024x1xf32, #tpu.memory_space<vmem>>, vector<1024x1xf32>,
    %reshape3A_36 = vector.shape_cast %select_n3A_29 : vector<1024x1xf32> to vector<64x16x1xf32>
    %reduce_max3A_37 = arith.constant dense<0xFF800000> : vector<64x1xf32>
    %reduce_max3A_38 = vector.multi_reduction <maximumf>, %reshape3A_36, %reduce_max3A_37 [1] : vector<64x16x1xf32> to vector<64x1xf32>
    %max3A_39 = arith.constant 0.000000e+00 : f32
    %max3A_40 = vector.broadcast %max3A_39 : f32 to vector<64x1xf32>
    %max3A_41 = arith.maximumf %reduce_max3A_38, %max3A_40 : vector<64x1xf32>
    %reshape3A_42 = vector.shape_cast %max3A_41 : vector<64x1xf32> to vector<1x64x1xf32>
    %swap3A_43 = arith.constant 0 : index
    %swap3A_44 = arith.constant 0 : index
    %swap3A_45 = arith.constant 0 : index
    %swap3A_46 = vector.load %arg4[%swap3A_43, %swap3A_44, %swap3A_45] : memref<1x64x1xf32, #tpu.memory_space<vmem>>, vector<1x64x1xf32>
    tpu.vector_store %arg4[%swap3A_43, %swap3A_44, %swap3A_45], %reshape3A_42 {strides = array<i32>} : memref<1x64x1xf32, #tpu.memory_space<vmem>>, vector<1x64x1xf32>,
    %iota3A = tpu.iota {dimensions = array<i32: 1>} : vector<64x1024xi32>
    %iota3A_47 = tpu.iota {dimensions = array<i32: 0>} : vector<64x1024xi32>
    %broadcast_in_dim3A_48 = arith.constant 0.000000e+00 : f32
    %broadcast_in_dim3A_49 = vector.broadcast %broadcast_in_dim3A_48 : f32 to vector<1x1024xf32>
    %scan3A = arith.constant 0 : i32
    %scan3A_50 = arith.constant 16 : i32
    %scan3A_51 = arith.addi %scan3A, %scan3A_50 : i32
    %scan3A_52 = arith.constant 2 : i32
    %scan3A_53 = scf.for %scan3A_237 = %scan3A to %scan3A_51 step %scan3A_52 iter_args(%scan3A_238 = %broadcast_in_dim3A_49) -> (vector<1x1024xf32>)  : i32 {
      %mul3A_239 = arith.constant 64 : i32
      %mul3A_240 = arith.muli %scan3A_237, %mul3A_239 : i32
      %get3A_241 = arith.index_cast %mul3A_240 : i32 to index
      %get3A_242 = arith.constant 0 : index
      %get3A_243 = vector.load %arg8[%get3A_241, %get3A_242] : memref<1024x1xf32, #tpu.memory_space<vmem>>, vector<64x1xf32>
      %mul3A_244 = arith.constant 64 : i32
      %mul3A_245 = arith.muli %scan3A_237, %mul3A_244 : i32
      %add3A_246 = vector.broadcast %mul3A_245 : i32 to vector<64x1024xi32>
      %add3A_247 = arith.addi %add3A_246, %iota3A_47 : vector<64x1024xi32>
      %gt3A_248 = vector.broadcast %select_n3A : vector<1x1024xf32> to vector<64x1024xf32>
      %gt3A_249 = vector.broadcast %get3A_243 : vector<64x1xf32> to vector<64x1024xf32>
      %gt3A_250 = arith.cmpf ogt, %gt3A_248, %gt3A_249 : vector<64x1024xf32>
      %eq3A_251 = vector.broadcast %select_n3A : vector<1x1024xf32> to vector<64x1024xf32>
      %eq3A_252 = vector.broadcast %get3A_243 : vector<64x1xf32> to vector<64x1024xf32>
      %eq3A_253 = arith.cmpf oeq, %eq3A_251, %eq3A_252 : vector<64x1024xf32>
      %lt3A_254 = arith.cmpi slt, %iota3A, %add3A_247 : vector<64x1024xi32>
      %and3A = arith.andi %eq3A_253, %lt3A_254 : vector<64x1024xi1>
      %or3A = arith.ori %gt3A_250, %and3A : vector<64x1024xi1>
      %convert_element_type3A_255 = arith.extui %or3A : vector<64x1024xi1> to vector<64x1024xi32>
      %convert_element_type3A_256 = arith.sitofp %convert_element_type3A_255 : vector<64x1024xi32> to vector<64x1024xf32>
      %reduce_sum3A_257 = arith.constant dense<0.000000e+00> : vector<1024xf32>
      %reduce_sum3A_258 = vector.multi_reduction <add>, %convert_element_type3A_256, %reduce_sum3A_257 [0] : vector<64x1024xf32> to vector<1024xf32>
      %broadcast_in_dim3A_259 = vector.shape_cast %reduce_sum3A_258 : vector<1024xf32> to vector<1x1024xf32>
      %add3A_260 = arith.addf %scan3A_238, %broadcast_in_dim3A_259 : vector<1x1024xf32>
      %scan3A_261 = arith.constant 1 : i32
      %scan3A_262 = arith.addi %scan3A_237, %scan3A_261 : i32
      %mul3A_263 = arith.constant 64 : i32
      %mul3A_264 = arith.muli %scan3A_262, %mul3A_263 : i32
      %get3A_265 = arith.index_cast %mul3A_264 : i32 to index
      %get3A_266 = arith.constant 0 : index
      %get3A_267 = vector.load %arg8[%get3A_265, %get3A_266] : memref<1024x1xf32, #tpu.memory_space<vmem>>, vector<64x1xf32>
      %mul3A_268 = arith.constant 64 : i32
      %mul3A_269 = arith.muli %scan3A_262, %mul3A_268 : i32
      %add3A_270 = vector.broadcast %mul3A_269 : i32 to vector<64x1024xi32>
      %add3A_271 = arith.addi %add3A_270, %iota3A_47 : vector<64x1024xi32>
      %gt3A_272 = vector.broadcast %select_n3A : vector<1x1024xf32> to vector<64x1024xf32>
      %gt3A_273 = vector.broadcast %get3A_267 : vector<64x1xf32> to vector<64x1024xf32>
      %gt3A_274 = arith.cmpf ogt, %gt3A_272, %gt3A_273 : vector<64x1024xf32>
      %eq3A_275 = vector.broadcast %select_n3A : vector<1x1024xf32> to vector<64x1024xf32>
      %eq3A_276 = vector.broadcast %get3A_267 : vector<64x1xf32> to vector<64x1024xf32>
      %eq3A_277 = arith.cmpf oeq, %eq3A_275, %eq3A_276 : vector<64x1024xf32>
      %lt3A_278 = arith.cmpi slt, %iota3A, %add3A_271 : vector<64x1024xi32>
      %and3A_279 = arith.andi %eq3A_277, %lt3A_278 : vector<64x1024xi1>
      %or3A_280 = arith.ori %gt3A_274, %and3A_279 : vector<64x1024xi1>
      %convert_element_type3A_281 = arith.extui %or3A_280 : vector<64x1024xi1> to vector<64x1024xi32>
      %convert_element_type3A_282 = arith.sitofp %convert_element_type3A_281 : vector<64x1024xi32> to vector<64x1024xf32>
      %reduce_sum3A_283 = arith.constant dense<0.000000e+00> : vector<1024xf32>
      %reduce_sum3A_284 = vector.multi_reduction <add>, %convert_element_type3A_282, %reduce_sum3A_283 [0] : vector<64x1024xf32> to vector<1024xf32>
      %broadcast_in_dim3A_285 = vector.shape_cast %reduce_sum3A_284 : vector<1024xf32> to vector<1x1024xf32>
      %add3A_286 = arith.addf %add3A_260, %broadcast_in_dim3A_285 : vector<1x1024xf32>
      scf.yield %add3A_286 : vector<1x1024xf32>
    }
    %scan3A_54 = arith.constant 16 : i32
    %sub3A_55 = arith.constant 1.023000e+03 : f32
    %sub3A_56 = vector.broadcast %sub3A_55 : f32 to vector<1x1024xf32>
    %sub3A_57 = arith.subf %sub3A_56, %scan3A_53 : vector<1x1024xf32>
    %iota3A_58 = tpu.iota {dimensions = array<i32: 1>} : vector<8x1024xi32>
    %iota3A_59 = tpu.iota {dimensions = array<i32: 0>} : vector<8x1024xi32>
    %convert_element_type3A = arith.sitofp %iota3A_58 : vector<8x1024xi32> to vector<8x1024xf32>
    %add3A = arith.constant 0 : i32
    %add3A_60 = vector.broadcast %add3A : i32 to vector<8x1024xi32>
    %add3A_61 = arith.addi %add3A_60, %iota3A_59 : vector<8x1024xi32>
    %convert_element_type3A_62 = arith.sitofp %add3A_61 : vector<8x1024xi32> to vector<8x1024xf32>
    %eq3A = vector.broadcast %sub3A_57 : vector<1x1024xf32> to vector<8x1024xf32>
    %eq3A_63 = arith.cmpf oeq, %eq3A, %convert_element_type3A_62 : vector<8x1024xf32>
    %jit3A_64 = arith.constant 0.000000e+00 : f32
    %broadcast_in_dim3A_65 = vector.shape_cast %select_n3A : vector<1x1024xf32> to vector<1x1024xf32>
    %broadcast_in_dim3A_66 = vector.broadcast %broadcast_in_dim3A_65 : vector<1x1024xf32> to vector<8x1024xf32>
    %broadcast_in_dim3A_67 = vector.broadcast %jit3A_64 : f32 to vector<8x1024xf32>
    %select_n3A_68 = arith.select %eq3A_63, %broadcast_in_dim3A_66, %broadcast_in_dim3A_67 : vector<8x1024xi1>, vector<8x1024xf32>
    %reduce_sum3A = arith.constant dense<0.000000e+00> : vector<8xf32>
    %reduce_sum3A_69 = vector.multi_reduction <add>, %select_n3A_68, %reduce_sum3A [1] : vector<8x1024xf32> to vector<8xf32>
    %broadcast_in_dim3A_70 = vector.shape_cast %reduce_sum3A_69 : vector<8xf32> to vector<8x1xf32>
    %jit3A_71 = arith.constant 0.000000e+00 : f32
    %broadcast_in_dim3A_72 = vector.broadcast %jit3A_71 : f32 to vector<8x1024xf32>
    %select_n3A_73 = arith.select %eq3A_63, %convert_element_type3A, %broadcast_in_dim3A_72 : vector<8x1024xi1>, vector<8x1024xf32>
    %reduce_sum3A_74 = arith.constant dense<0.000000e+00> : vector<8xf32>
    %reduce_sum3A_75 = vector.multi_reduction <add>, %select_n3A_73, %reduce_sum3A_74 [1] : vector<8x1024xf32> to vector<8xf32>
    %broadcast_in_dim3A_76 = vector.shape_cast %reduce_sum3A_75 : vector<8xf32> to vector<8x1xf32>
    %add3A_77 = arith.constant 8 : i32
    %add3A_78 = vector.broadcast %add3A_77 : i32 to vector<8x1024xi32>
    %add3A_79 = arith.addi %add3A_78, %iota3A_59 : vector<8x1024xi32>
    %convert_element_type3A_80 = arith.sitofp %add3A_79 : vector<8x1024xi32> to vector<8x1024xf32>
    %eq3A_81 = vector.broadcast %sub3A_57 : vector<1x1024xf32> to vector<8x1024xf32>
    %eq3A_82 = arith.cmpf oeq, %eq3A_81, %convert_element_type3A_80 : vector<8x1024xf32>
    %jit3A_83 = arith.constant 0.000000e+00 : f32
    %broadcast_in_dim3A_84 = vector.shape_cast %select_n3A : vector<1x1024xf32> to vector<1x1024xf32>
    %broadcast_in_dim3A_85 = vector.broadcast %broadcast_in_dim3A_84 : vector<1x1024xf32> to vector<8x1024xf32>
    %broadcast_in_dim3A_86 = vector.broadcast %jit3A_83 : f32 to vector<8x1024xf32>
    %select_n3A_87 = arith.select %eq3A_82, %broadcast_in_dim3A_85, %broadcast_in_dim3A_86 : vector<8x1024xi1>, vector<8x1024xf32>
    %reduce_sum3A_88 = arith.constant dense<0.000000e+00> : vector<8xf32>
    %reduce_sum3A_89 = vector.multi_reduction <add>, %select_n3A_87, %reduce_sum3A_88 [1] : vector<8x1024xf32> to vector<8xf32>
    %broadcast_in_dim3A_90 = vector.shape_cast %reduce_sum3A_89 : vector<8xf32> to vector<8x1xf32>
    %jit3A_91 = arith.constant 0.000000e+00 : f32
    %broadcast_in_dim3A_92 = vector.broadcast %jit3A_91 : f32 to vector<8x1024xf32>
    %select_n3A_93 = arith.select %eq3A_82, %convert_element_type3A, %broadcast_in_dim3A_92 : vector<8x1024xi1>, vector<8x1024xf32>
    %reduce_sum3A_94 = arith.constant dense<0.000000e+00> : vector<8xf32>
    %reduce_sum3A_95 = vector.multi_reduction <add>, %select_n3A_93, %reduce_sum3A_94 [1] : vector<8x1024xf32> to vector<8xf32>
    %broadcast_in_dim3A_96 = vector.shape_cast %reduce_sum3A_95 : vector<8xf32> to vector<8x1xf32>
    %add3A_97 = arith.constant 16 : i32
    %add3A_98 = vector.broadcast %add3A_97 : i32 to vector<8x1024xi32>
    %add3A_99 = arith.addi %add3A_98, %iota3A_59 : vector<8x1024xi32>
    %convert_element_type3A_100 = arith.sitofp %add3A_99 : vector<8x1024xi32> to vector<8x1024xf32>
    %eq3A_101 = vector.broadcast %sub3A_57 : vector<1x1024xf32> to vector<8x1024xf32>
    %eq3A_102 = arith.cmpf oeq, %eq3A_101, %convert_element_type3A_100 : vector<8x1024xf32>
    %jit3A_103 = arith.constant 0.000000e+00 : f32
    %broadcast_in_dim3A_104 = vector.shape_cast %select_n3A : vector<1x1024xf32> to vector<1x1024xf32>
    %broadcast_in_dim3A_105 = vector.broadcast %broadcast_in_dim3A_104 : vector<1x1024xf32> to vector<8x1024xf32>
    %broadcast_in_dim3A_106 = vector.broadcast %jit3A_103 : f32 to vector<8x1024xf32>
    %select_n3A_107 = arith.select %eq3A_102, %broadcast_in_dim3A_105, %broadcast_in_dim3A_106 : vector<8x1024xi1>, vector<8x1024xf32>
    %reduce_sum3A_108 = arith.constant dense<0.000000e+00> : vector<8xf32>
    %reduce_sum3A_109 = vector.multi_reduction <add>, %select_n3A_107, %reduce_sum3A_108 [1] : vector<8x1024xf32> to vector<8xf32>
    %broadcast_in_dim3A_110 = vector.shape_cast %reduce_sum3A_109 : vector<8xf32> to vector<8x1xf32>
    %jit3A_111 = arith.constant 0.000000e+00 : f32
    %broadcast_in_dim3A_112 = vector.broadcast %jit3A_111 : f32 to vector<8x1024xf32>
    %select_n3A_113 = arith.select %eq3A_102, %convert_element_type3A, %broadcast_in_dim3A_112 : vector<8x1024xi1>, vector<8x1024xf32>
    %reduce_sum3A_114 = arith.constant dense<0.000000e+00> : vector<8xf32>
    %reduce_sum3A_115 = vector.multi_reduction <add>, %select_n3A_113, %reduce_sum3A_114 [1] : vector<8x1024xf32> to vector<8xf32>
    %broadcast_in_dim3A_116 = vector.shape_cast %reduce_sum3A_115 : vector<8xf32> to vector<8x1xf32>
    %add3A_117 = arith.constant 24 : i32
    %add3A_118 = vector.broadcast %add3A_117 : i32 to vector<8x1024xi32>
    %add3A_119 = arith.addi %add3A_118, %iota3A_59 : vector<8x1024xi32>
    %convert_element_type3A_120 = arith.sitofp %add3A_119 : vector<8x1024xi32> to vector<8x1024xf32>
    %eq3A_121 = vector.broadcast %sub3A_57 : vector<1x1024xf32> to vector<8x1024xf32>
    %eq3A_122 = arith.cmpf oeq, %eq3A_121, %convert_element_type3A_120 : vector<8x1024xf32>
    %jit3A_123 = arith.constant 0.000000e+00 : f32
    %broadcast_in_dim3A_124 = vector.shape_cast %select_n3A : vector<1x1024xf32> to vector<1x1024xf32>
    %broadcast_in_dim3A_125 = vector.broadcast %broadcast_in_dim3A_124 : vector<1x1024xf32> to vector<8x1024xf32>
    %broadcast_in_dim3A_126 = vector.broadcast %jit3A_123 : f32 to vector<8x1024xf32>
    %select_n3A_127 = arith.select %eq3A_122, %broadcast_in_dim3A_125, %broadcast_in_dim3A_126 : vector<8x1024xi1>, vector<8x1024xf32>
    %reduce_sum3A_128 = arith.constant dense<0.000000e+00> : vector<8xf32>
    %reduce_sum3A_129 = vector.multi_reduction <add>, %select_n3A_127, %reduce_sum3A_128 [1] : vector<8x1024xf32> to vector<8xf32>
    %broadcast_in_dim3A_130 = vector.shape_cast %reduce_sum3A_129 : vector<8xf32> to vector<8x1xf32>
    %jit3A_131 = arith.constant 0.000000e+00 : f32
    %broadcast_in_dim3A_132 = vector.broadcast %jit3A_131 : f32 to vector<8x1024xf32>
    %select_n3A_133 = arith.select %eq3A_122, %convert_element_type3A, %broadcast_in_dim3A_132 : vector<8x1024xi1>, vector<8x1024xf32>
    %reduce_sum3A_134 = arith.constant dense<0.000000e+00> : vector<8xf32>
    %reduce_sum3A_135 = vector.multi_reduction <add>, %select_n3A_133, %reduce_sum3A_134 [1] : vector<8x1024xf32> to vector<8xf32>
    %broadcast_in_dim3A_136 = vector.shape_cast %reduce_sum3A_135 : vector<8xf32> to vector<8x1xf32>
    %add3A_137 = arith.constant 32 : i32
    %add3A_138 = vector.broadcast %add3A_137 : i32 to vector<8x1024xi32>
    %add3A_139 = arith.addi %add3A_138, %iota3A_59 : vector<8x1024xi32>
    %convert_element_type3A_140 = arith.sitofp %add3A_139 : vector<8x1024xi32> to vector<8x1024xf32>
    %eq3A_141 = vector.broadcast %sub3A_57 : vector<1x1024xf32> to vector<8x1024xf32>
    %eq3A_142 = arith.cmpf oeq, %eq3A_141, %convert_element_type3A_140 : vector<8x1024xf32>
    %jit3A_143 = arith.constant 0.000000e+00 : f32
    %broadcast_in_dim3A_144 = vector.shape_cast %select_n3A : vector<1x1024xf32> to vector<1x1024xf32>
    %broadcast_in_dim3A_145 = vector.broadcast %broadcast_in_dim3A_144 : vector<1x1024xf32> to vector<8x1024xf32>
    %broadcast_in_dim3A_146 = vector.broadcast %jit3A_143 : f32 to vector<8x1024xf32>
    %select_n3A_147 = arith.select %eq3A_142, %broadcast_in_dim3A_145, %broadcast_in_dim3A_146 : vector<8x1024xi1>, vector<8x1024xf32>
    %reduce_sum3A_148 = arith.constant dense<0.000000e+00> : vector<8xf32>
    %reduce_sum3A_149 = vector.multi_reduction <add>, %select_n3A_147, %reduce_sum3A_148 [1] : vector<8x1024xf32> to vector<8xf32>
    %broadcast_in_dim3A_150 = vector.shape_cast %reduce_sum3A_149 : vector<8xf32> to vector<8x1xf32>
    %jit3A_151 = arith.constant 0.000000e+00 : f32
    %broadcast_in_dim3A_152 = vector.broadcast %jit3A_151 : f32 to vector<8x1024xf32>
    %select_n3A_153 = arith.select %eq3A_142, %convert_element_type3A, %broadcast_in_dim3A_152 : vector<8x1024xi1>, vector<8x1024xf32>
    %reduce_sum3A_154 = arith.constant dense<0.000000e+00> : vector<8xf32>
    %reduce_sum3A_155 = vector.multi_reduction <add>, %select_n3A_153, %reduce_sum3A_154 [1] : vector<8x1024xf32> to vector<8xf32>
    %broadcast_in_dim3A_156 = vector.shape_cast %reduce_sum3A_155 : vector<8xf32> to vector<8x1xf32>
    %add3A_157 = arith.constant 40 : i32
    %add3A_158 = vector.broadcast %add3A_157 : i32 to vector<8x1024xi32>
    %add3A_159 = arith.addi %add3A_158, %iota3A_59 : vector<8x1024xi32>
    %convert_element_type3A_160 = arith.sitofp %add3A_159 : vector<8x1024xi32> to vector<8x1024xf32>
    %eq3A_161 = vector.broadcast %sub3A_57 : vector<1x1024xf32> to vector<8x1024xf32>
    %eq3A_162 = arith.cmpf oeq, %eq3A_161, %convert_element_type3A_160 : vector<8x1024xf32>
    %jit3A_163 = arith.constant 0.000000e+00 : f32
    %broadcast_in_dim3A_164 = vector.shape_cast %select_n3A : vector<1x1024xf32> to vector<1x1024xf32>
    %broadcast_in_dim3A_165 = vector.broadcast %broadcast_in_dim3A_164 : vector<1x1024xf32> to vector<8x1024xf32>
    %broadcast_in_dim3A_166 = vector.broadcast %jit3A_163 : f32 to vector<8x1024xf32>
    %select_n3A_167 = arith.select %eq3A_162, %broadcast_in_dim3A_165, %broadcast_in_dim3A_166 : vector<8x1024xi1>, vector<8x1024xf32>
    %reduce_sum3A_168 = arith.constant dense<0.000000e+00> : vector<8xf32>
    %reduce_sum3A_169 = vector.multi_reduction <add>, %select_n3A_167, %reduce_sum3A_168 [1] : vector<8x1024xf32> to vector<8xf32>
    %broadcast_in_dim3A_170 = vector.shape_cast %reduce_sum3A_169 : vector<8xf32> to vector<8x1xf32>
    %jit3A_171 = arith.constant 0.000000e+00 : f32
    %broadcast_in_dim3A_172 = vector.broadcast %jit3A_171 : f32 to vector<8x1024xf32>
    %select_n3A_173 = arith.select %eq3A_162, %convert_element_type3A, %broadcast_in_dim3A_172 : vector<8x1024xi1>, vector<8x1024xf32>
    %reduce_sum3A_174 = arith.constant dense<0.000000e+00> : vector<8xf32>
    %reduce_sum3A_175 = vector.multi_reduction <add>, %select_n3A_173, %reduce_sum3A_174 [1] : vector<8x1024xf32> to vector<8xf32>
    %broadcast_in_dim3A_176 = vector.shape_cast %reduce_sum3A_175 : vector<8xf32> to vector<8x1xf32>
    %add3A_177 = arith.constant 48 : i32
    %add3A_178 = vector.broadcast %add3A_177 : i32 to vector<8x1024xi32>
    %add3A_179 = arith.addi %add3A_178, %iota3A_59 : vector<8x1024xi32>
    %convert_element_type3A_180 = arith.sitofp %add3A_179 : vector<8x1024xi32> to vector<8x1024xf32>
    %eq3A_181 = vector.broadcast %sub3A_57 : vector<1x1024xf32> to vector<8x1024xf32>
    %eq3A_182 = arith.cmpf oeq, %eq3A_181, %convert_element_type3A_180 : vector<8x1024xf32>
    %jit3A_183 = arith.constant 0.000000e+00 : f32
    %broadcast_in_dim3A_184 = vector.shape_cast %select_n3A : vector<1x1024xf32> to vector<1x1024xf32>
    %broadcast_in_dim3A_185 = vector.broadcast %broadcast_in_dim3A_184 : vector<1x1024xf32> to vector<8x1024xf32>
    %broadcast_in_dim3A_186 = vector.broadcast %jit3A_183 : f32 to vector<8x1024xf32>
    %select_n3A_187 = arith.select %eq3A_182, %broadcast_in_dim3A_185, %broadcast_in_dim3A_186 : vector<8x1024xi1>, vector<8x1024xf32>
    %reduce_sum3A_188 = arith.constant dense<0.000000e+00> : vector<8xf32>
    %reduce_sum3A_189 = vector.multi_reduction <add>, %select_n3A_187, %reduce_sum3A_188 [1] : vector<8x1024xf32> to vector<8xf32>
    %broadcast_in_dim3A_190 = vector.shape_cast %reduce_sum3A_189 : vector<8xf32> to vector<8x1xf32>
    %jit3A_191 = arith.constant 0.000000e+00 : f32
    %broadcast_in_dim3A_192 = vector.broadcast %jit3A_191 : f32 to vector<8x1024xf32>
    %select_n3A_193 = arith.select %eq3A_182, %convert_element_type3A, %broadcast_in_dim3A_192 : vector<8x1024xi1>, vector<8x1024xf32>
    %reduce_sum3A_194 = arith.constant dense<0.000000e+00> : vector<8xf32>
    %reduce_sum3A_195 = vector.multi_reduction <add>, %select_n3A_193, %reduce_sum3A_194 [1] : vector<8x1024xf32> to vector<8xf32>
    %broadcast_in_dim3A_196 = vector.shape_cast %reduce_sum3A_195 : vector<8xf32> to vector<8x1xf32>
    %concatenate3A = tpu.concatenate %broadcast_in_dim3A_70, %broadcast_in_dim3A_90, %broadcast_in_dim3A_110, %broadcast_in_dim3A_130, %broadcast_in_dim3A_150, %broadcast_in_dim3A_170, %broadcast_in_dim3A_190 in 0 : vector<8x1xf32>, vector<8x1xf32>, vector<8x1xf32>, vector<8x1xf32>, vector<8x1xf32>, vector<8x1xf32>, vector<8x1xf32> -> vector<56x1xf32>
    %concatenate3A_197 = tpu.concatenate %broadcast_in_dim3A_76, %broadcast_in_dim3A_96, %broadcast_in_dim3A_116, %broadcast_in_dim3A_136, %broadcast_in_dim3A_156, %broadcast_in_dim3A_176, %broadcast_in_dim3A_196 in 0 : vector<8x1xf32>, vector<8x1xf32>, vector<8x1xf32>, vector<8x1xf32>, vector<8x1xf32>, vector<8x1xf32>, vector<8x1xf32> -> vector<56x1xf32>
    %reshape3A_198 = vector.shape_cast %concatenate3A : vector<56x1xf32> to vector<1x56x1xf32>
    %swap3A_199 = arith.constant 0 : index
    %swap3A_200 = arith.constant 0 : index
    %swap3A_201 = arith.constant 0 : index
    %swap3A_202 = vector.load %arg5[%swap3A_199, %swap3A_200, %swap3A_201] : memref<1x56x1xf32, #tpu.memory_space<vmem>>, vector<1x56x1xf32>
    tpu.vector_store %arg5[%swap3A_199, %swap3A_200, %swap3A_201], %reshape3A_198 {strides = array<i32>} : memref<1x56x1xf32, #tpu.memory_space<vmem>>, vector<1x56x1xf32>,
    %convert_element_type3A_203 = arith.fptosi %concatenate3A_197 : vector<56x1xf32> to vector<56x1xi32>
    %mul3A_204 = arith.constant 1024 : i32
    %mul3A_205 = arith.muli %arg0, %mul3A_204 : i32
    %add3A_206 = vector.broadcast %mul3A_205 : i32 to vector<56x1xi32>
    %add3A_207 = arith.addi %convert_element_type3A_203, %add3A_206 : vector<56x1xi32>
    %reshape3A_208 = vector.shape_cast %add3A_207 : vector<56x1xi32> to vector<1x56x1xi32>
    %swap3A_209 = arith.constant 0 : index
    %swap3A_210 = arith.constant 0 : index
    %swap3A_211 = arith.constant 0 : index
    %swap3A_212 = vector.load %arg7[%swap3A_209, %swap3A_210, %swap3A_211] : memref<1x56x1xi32, #tpu.memory_space<vmem>>, vector<1x56x1xi32>
    tpu.vector_store %arg7[%swap3A_209, %swap3A_210, %swap3A_211], %reshape3A_208 {strides = array<i32>} : memref<1x56x1xi32, #tpu.memory_space<vmem>>, vector<1x56x1xi32>,
    %iota3A_213 = tpu.iota {dimensions = array<i32: 0>} : vector<56x1xi32>
    %lt3A = arith.constant 50 : i32
    %lt3A_214 = vector.broadcast %lt3A : i32 to vector<56x1xi32>
    %lt3A_215 = arith.cmpi slt, %iota3A_213, %lt3A_214 : vector<56x1xi32>
    %jit3A_216 = arith.constant 0xFF800000 : f32
    %broadcast_in_dim3A_217 = vector.broadcast %jit3A_216 : f32 to vector<56x1xf32>
    %select_n3A_218 = arith.select %lt3A_215, %concatenate3A, %broadcast_in_dim3A_217 : vector<56x1xi1>, vector<56x1xf32>
    %reduce_max3A_219 = arith.constant dense<0xFF800000> : vector<1xf32>
    %reduce_max3A_220 = vector.multi_reduction <maximumf>, %select_n3A_218, %reduce_max3A_219 [0] : vector<56x1xf32> to vector<1xf32>
    %broadcast_in_dim3A_221 = vector.shape_cast %reduce_max3A_220 : vector<1xf32> to vector<1x1xf32>
    %sub3A_222 = vector.broadcast %broadcast_in_dim3A_221 : vector<1x1xf32> to vector<56x1xf32>
    %sub3A_223 = arith.subf %concatenate3A, %sub3A_222 : vector<56x1xf32>
    %exp3A = math.exp %sub3A_223 : vector<56x1xf32>
    %jit3A_224 = arith.constant 0.000000e+00 : f32
    %broadcast_in_dim3A_225 = vector.broadcast %jit3A_224 : f32 to vector<56x1xf32>
    %select_n3A_226 = arith.select %lt3A_215, %exp3A, %broadcast_in_dim3A_225 : vector<56x1xi1>, vector<56x1xf32>
    %reduce_sum3A_227 = arith.constant dense<0.000000e+00> : vector<1xf32>
    %reduce_sum3A_228 = vector.multi_reduction <add>, %select_n3A_226, %reduce_sum3A_227 [0] : vector<56x1xf32> to vector<1xf32>
    %broadcast_in_dim3A_229 = vector.shape_cast %reduce_sum3A_228 : vector<1xf32> to vector<1x1xf32>
    %div3A_230 = vector.broadcast %broadcast_in_dim3A_229 : vector<1x1xf32> to vector<56x1xf32>
    %div3A_231 = arith.divf %select_n3A_226, %div3A_230 : vector<56x1xf32>
    %reshape3A_232 = vector.shape_cast %div3A_231 : vector<56x1xf32> to vector<1x56x1xf32>
    %swap3A_233 = arith.constant 0 : index
    %swap3A_234 = arith.constant 0 : index
    %swap3A_235 = arith.constant 0 : index
    %swap3A_236 = vector.load %arg6[%swap3A_233, %swap3A_234, %swap3A_235] : memref<1x56x1xf32, #tpu.memory_space<vmem>>, vector<1x56x1xf32>
    tpu.vector_store %arg6[%swap3A_233, %swap3A_234, %swap3A_235], %reshape3A_232 {strides = array<i32>} : memref<1x56x1xf32, #tpu.memory_space<vmem>>, vector<1x56x1xf32>,
    return
  }
  func.func @transform_0(%arg0: i32) -> (i32, i32, i32) {
    %c0_i32 = arith.constant 0 : i32
    %c0_i32_0 = arith.constant 0 : i32
    %c0_i32_1 = arith.constant 0 : i32
    return %arg0, %c0_i32, %c0_i32_0 : i32, i32, i32
  }
  func.func @transform_1(%arg0: i32) -> (i32, i32, i32) {
    %c0_i32 = arith.constant 0 : i32
    %c0_i32_0 = arith.constant 0 : i32
    %c0_i32_1 = arith.constant 0 : i32
    return %arg0, %c0_i32, %c0_i32_0 : i32, i32, i32
  }
  func.func @transform_2(%arg0: i32) -> (i32, i32, i32) {
    %c0_i32 = arith.constant 0 : i32
    %c0_i32_0 = arith.constant 0 : i32
    %c0_i32_1 = arith.constant 0 : i32
    return %arg0, %c0_i32, %c0_i32_0 : i32, i32, i32
  }
  func.func @transform_3(%arg0: i32) -> (i32, i32, i32) {
    %c0_i32 = arith.constant 0 : i32
    %c0_i32_0 = arith.constant 0 : i32
    %c0_i32_1 = arith.constant 0 : i32
    return %arg0, %c0_i32, %c0_i32_0 : i32, i32, i32
  }
  func.func @transform_4(%arg0: i32) -> (i32, i32, i32) {
    %c0_i32 = arith.constant 0 : i32
    %c0_i32_0 = arith.constant 0 : i32
    %c0_i32_1 = arith.constant 0 : i32
    return %arg0, %c0_i32, %c0_i32_0 : i32, i32, i32
  }
  func.func @transform_5(%arg0: i32) -> (i32, i32, i32) {
    %c0_i32 = arith.constant 0 : i32
    %c0_i32_0 = arith.constant 0 : i32
    %c0_i32_1 = arith.constant 0 : i32
    return %arg0, %c0_i32, %c0_i32_0 : i32, i32, i32
  }
  func.func @transform_6(%arg0: i32) -> (i32, i32, i32) {
    %c0_i32 = arith.constant 0 : i32
    %c0_i32_0 = arith.constant 0 : i32
    %c0_i32_1 = arith.constant 0 : i32
    return %arg0, %c0_i32, %c0_i32_0 : i32, i32, i32
  }
}

</mosaic_0001>

<sc_bundles>
// kernel: kernel.5.cloned.1.call-start
scs
__scs_entry_jumppad:
0x0: {  	(pc) =	sbr.rel $0x88, $3  }
0x1: {  	(tag) =	ssettag $0x0;
	lr =	simm.s32 $0x1  }
0x2: {  	[smem:$0x3F98] =	sst lr;
	_ =	strace $0xD0000000  }
0x3: {  	_ = 	snop  }
0x4: {  	_ = 	snop  }
0x5: {  	_ = 	snop  }
0x6: {  	_ = 	snop  }
0x7: {  	_ = 	snop  }
__scs_overlays_trampoline_lowered:
0x8: {  	[smem:$0x3FA7] =	sst s0  }
0x9: {  	[smem:$0x3FA8] =	sst s1  }
0xa: {  	[smem:$0x3FA9] =	sst s2  }
0xb: {  	[smem:$0x3FAA] =	sst s3  }
0xc: {  	[smem:$0x3FAB] =	sst s4  }
0xd: {  	[smem:$0x3FAC] =	sst s5  }
0xe: {  	[smem:$0x3FAD] =	sst s6  }
0xf: {  	[smem:$0x3FAE] =	sst s7  }
0x10: {  	[smem:$0x3FAF] =	sst s8  }
0x11: {  	[smem:$0x3FB0] =	sst s9;
	s0 =	simm.s32 @!p0 $0x0  }
0x12: {  	s1 =	sld [smem:$0x3F96];
	s0 =	simm.s32 @p0 $0x1  }
0x13: {  	[smem:$0x3FB1] =	sst s0;
	s0 =	simm.s32 @!p1 $0x0  }
0x14: {  	s2 =	sld [smem:$0x3F95];
	s0 =	simm.s32 @p1 $0x1  }
0x15: {  	[smem:$0x3FB2] =	sst s0;
	s0 =	simm.s32 @!p2 $0x0  }
0x16: {  	s3 =	sld [smem:$0x3FDB];
	s0 =	simm.s32 @p2 $0x1  }
0x17: {  	s4 =	simm.s32 $0x1BF5;
	[smem:$0x3FB4] =	sst s0  }
0x18: {  	s0 =	sld [smem:$0x3F97];
	_ =	swait.ge [sflag:s4], $0x0  }
0x19: {  	s7 =	sld [smem:$0x3F98]  }
0x1a: {  	s8 =	sadd.s32 $0xFFFFE003, lr  }
0x1b: {  	s9 =	sadd.s32 $0xFFFFFEF7, lr;
	s5 =	simm.s32 $0xFFFFFFFF;
	p2 =	slt.u32 s8, $0xFFFFF086  }
0x1c: {  	p1 =	slt.u32 s9, $0xF7A;
	s5 =	simm.s32 @!p2 $0x0  }
0x1d: {  	s5 =	simm.s32 @p1 $0x1;
	p0 =	seq.s32 s7, s2  }
0x1e: {  	s7 =	smul.u32 @!p0 $0xF7A, s2;
	p2 =	seq.s32 @!p0 s5, $0x0  }
0x1f: {  	s9 =	smul.u32 $0xF7A, s1;
	s8 =	simm.s32 @!p0 $0x1BF5;
	p2 =	por !p2, p0  }
0x20: {  	[sflag:s8] =	ssyncset.s32 @!p0 $0xFFFFF086;
	s6 =	sadd.s32 @!p0 s3, s7;
	s7 =	simm.s32 @!p0 $0x108  }
0x21: {  	s3 =	sadd.s32 s3, s9;
	s6 =	sadd.s32 @!p0 $0x88, s6;
	s7 =	simm.s32 @p2 $0x1082  }
0x22: {  	[simem:s7], [sflag:s8] =	dma.local @!p0 [hbm:s6], $0xF7A  }
0x23: {  	s9 =	sor.u32 $0xD0000000, s2;
	s6 =	simm.s32 $0x108;
	_ =	swait.ge @!p0 [sflag:s8], $0x0  }
0x24: {  	s3 =	sadd.s32 $0x88, s3;
	s6 =	simm.s32 @!p1 $0x1082;
	[sflag:s4] =	ssyncset.s32 $0xFFFFF086  }
0x25: {  	[simem:s6], [sflag:s4] =	dma.local [hbm:s3], $0xF7A  }
0x26: {  	[smem:$0x3F98] =	sst s1;
	(tag) =	ssettag s2;
	_ =	strace s9  }
0x27: {  	s1 =	sld [smem:$0x3FA8]  }
0x28: {  	s2 =	sld [smem:$0x3FA9]  }
0x29: {  	s4 =	sld [smem:$0x3FAB]  }
0x2a: {  	p0 =	seq.s32 s5, $0x0;
	s5 =	sld [smem:$0x3FAC]  }
0x2b: {  	s6 =	sld [smem:$0x3FAD]  }
0x2c: {  	s7 =	sld [smem:$0x3FAE]  }
0x2d: {  	s3 =	simm.s32 $0x108;
	s8 =	sld [smem:$0x3FAF]  }
0x2e: {  	s3 =	simm.s32 @!p0 $0x1082;
	s9 =	sld [smem:$0x3FB0]  }
0x2f: {  	lr =	sadd.s32 s0, s3;
	s0 =	sld [smem:$0x3FA7]  }
0x30: {  	s3 =	sld [smem:$0x3FAA]  }
0x31: {  	[smem:$0x3FB3] =	sst s10  }
0x32: {  	s10 =	sld [smem:$0x3FB1];
	_ =	sdelay $0x3  }
0x33: {  	p0 =	seq.s32 s10, $0x1;
	s10 =	sld [smem:$0x3FB3];
	_ =	sdelay $0x3  }
0x34: {  	[smem:$0x3FB3] =	sst s10  }
0x35: {  	s10 =	sld [smem:$0x3FB2];
	_ =	sdelay $0x3  }
0x36: {  	p1 =	seq.s32 s10, $0x1;
	s10 =	sld [smem:$0x3FB3];
	_ =	sdelay $0x3  }
0x37: {  	[smem:$0x3FB3] =	sst s10  }
0x38: {  	s10 =	sld [smem:$0x3FB4]  }
0x39: {  	_ = 	snop;
	(pc) =	sbr.ind lr, $3  }
0x3a: {  	_ = 	snop  }
0x3b: {  	_ = 	snop  }
0x3c: {  	p2 =	seq.s32 s10, $0x1;
	s10 =	sld [smem:$0x3FB3]  }
0x3d: {  	_ =	shalt  }
0x3e: {  	_ =	shalt  }
0x3f: {  	_ =	shalt  }
0x40: {  	_ =	shalt  }
0x41: {  	_ =	shalt  }
0x42: {  	_ =	shalt  }
0x43: {  	_ =	shalt  }
0x44: {  	_ =	shalt  }
0x45: {  	_ =	shalt  }
0x46: {  	_ =	shalt  }
0x47: {  	_ =	shalt  }
0x48: {  	_ =	shalt  }
0x49: {  	_ =	shalt  }
0x4a: {  	_ =	shalt  }
0x4b: {  	_ =	shalt  }
0x4c: {  	_ =	shalt  }
0x4d: {  	_ =	shalt  }
0x4e: {  	_ =	shalt  }
0x4f: {  	_ =	shalt  }
0x50: {  	_ =	shalt  }
0x51: {  	_ =	shalt  }
0x52: {  	_ =	shalt  }
0x53: {  	_ =	shalt  }
0x54: {  	_ =	shalt  }
0x55: {  	_ =	shalt  }
0x56: {  	_ =	shalt  }
0x57: {  	_ =	shalt  }
0x58: {  	_ =	shalt  }
0x59: {  	_ =	shalt  }
0x5a: {  	_ =	shalt  }
0x5b: {  	_ =	shalt  }
0x5c: {  	_ =	shalt  }
0x5d: {  	_ =	shalt  }
0x5e: {  	_ =	shalt  }
0x5f: {  	_ =	shalt  }
0x60: {  	_ =	shalt  }
0x61: {  	_ =	shalt  }
0x62: {  	_ =	shalt  }
0x63: {  	_ =	shalt  }
0x64: {  	_ =	shalt  }
0x65: {  	_ =	shalt  }
0x66: {  	_ =	shalt  }
0x67: {  	_ =	shalt  }
0x68: {  	_ =	shalt  }
0x69: {  	_ =	shalt  }
0x6a: {  	_ =	shalt  }
0x6b: {  	_ =	shalt  }
0x6c: {  	_ =	shalt  }
0x6d: {  	_ =	shalt  }
0x6e: {  	_ =	shalt  }
0x6f: {  	_ =	shalt  }
0x70: {  	_ =	shalt  }
0x71: {  	_ =	shalt  }
0x72: {  	_ =	shalt  }
0x73: {  	_ =	shalt  }
0x74: {  	_ =	shalt  }
0x75: {  	_ =	shalt  }
0x76: {  	_ =	shalt  }
0x77: {  	_ =	shalt  }
0x78: {  	_ =	shalt  }
0x79: {  	_ =	shalt  }
0x7a: {  	_ =	shalt  }
0x7b: {  	_ =	shalt  }
0x7c: {  	_ =	shalt  }
0x7d: {  	_ =	shalt  }
0x7e: {  	_ =	shalt  }
0x7f: {  	_ =	shalt  }
0x80: {  	_ =	shalt  }
0x81: {  	_ =	shalt  }
0x82: {  	_ =	shalt  }
0x83: {  	_ =	shalt  }
0x84: {  	_ =	shalt  }
0x85: {  	_ =	shalt  }
0x86: {  	_ =	shalt  }
0x87: {  	_ =	shalt  }
.Lfunc_end0:
.L_simem_size_0:
called_computation_lowered:
.L_overlay_start_0:
0x88: {  	s2 =	sld [smem:$0x3FD9]  }
0x89: {  	s3 =	sld [smem:$0x3FFE];
	_ =	sdelay $0x1  }
0x8a: {  	s1 =	srdreg.scid  }
0x8b: {  	s0 =	sand.u32 $0x1, s1  }
0x8c: {  	s14 =	sshll.u32 s0, $0xA;
	s2 =	sadd.s32 s3, s2  }
0x8d: {  	s2 =	sadd.s32 s2, s14  }
0x8e: {  	[smem:$0x3FBF] =	sst s2  }
0x8f: {  	_ = 	snop  }
0x90: {  	s2 =	sld [smem:$0x3FD0];
	_ =	sdelay $0x2  }
0x91: {  	s4 =	simm.s32 $0xA;
	s5 =	simm.s32 $0x10;
	s15 =	sld [smem:$0x3FC9]  }
0x92: {  	[smem:s5], [sflag:s4] =	dma.local [hbm:s2], $0x1  }
0x93: {  	_ =	swait.eq [sflag:s4], $0x1  }
0x94: {  	[sflag:s4] =	ssyncset.done $0x0  }
0x95: {  	[sflag:s4] =	ssyncadd.s32 $0xFFFFFFFF  }
0x96: {  	s16 =	sld [smem:$0x12];
	(tm) =	ssettm $0x1  }
0x97: {  	s17 =	sld [smem:$0x3FFB];
	_ =	sdelay $0x3  }
0x98: {  	_ =	strace s17  }
0x99: {  	s4 =	sld [smem:$0x3FFC];
	_ =	sdelay $0x3  }
0x9a: {  	_ =	strace s4  }
0x9b: {  	s4 =	sld [smem:$0x3FFD];
	_ =	sdelay $0x3  }
0x9c: {  	_ =	strace s4  }
0x9d: {  	_ =	strace $0x8FFFFFFF  }
0x9e: {  	s18 =	sld [smem:$0x3FDB];
	_ =	sdelay $0x1  }
0x9f: {  	s19 =	simm.s32 $_scs_section_size  }
0xa0: {  	s6 =	simm.s32 $_size__tile_overlayer_lowered;
	s7 =	simm.s32 $_tile_overlayer_lowered  }
0xa1: {  	s22 =	simm.s32 $0x1BFF;
	s21 =	sshll.u32 s7, $0x1;
	s4 =	sadd.s32 s19, s18  }
0xa2: {  	s8 =	simm.s32 $0x0;
	s20 =	sshll.u32 s6, $0x1;
	s6 =	sadd.s32 s21, s4  }
0xa3: {  	[timem:s8], [sflag:s22] =	dma.local [hbm:s6], s20  }
0xa4: {  	_ =	swait.ge [sflag:s22], s20  }
0xa5: {  	s5 =	ssub.s32 $0x0, s20;
	[sflag:s22] =	ssyncset.done $0x0  }
0xa6: {  	[sflag:s22] =	ssyncadd.s32 s5;
	_ =	sdelay $0x1  }
0xa7: {  	s23 =	simm.s32 $0x1B8B  }
0xa8: {  	_ =	swait.ge [sflag:s23], $0x1  }
0xa9: {  	[sflag:s23] =	ssyncset.done $0x0  }
0xaa: {  	s25 =	simm.s32 $0x1B8E;
	s24 =	sld [smem:$0x3FFE];
	[sflag:s23] =	ssyncadd.s32 $0xFFFFFFFF  }
0xab: {  	s26 =	simm.s32 $execute0_lowered;
	[smem:$0x3FD2] =	sst s25  }
0xac: {  	s6 =	sshll.u32 s26, $0x1;
	_ =	strace $0x80000046;
	[dreg:$0x1] =	wrdreg $0xFFFFFFFF  }
0xad: {  	s28 =	simm.s32 $_size_execute0_lowered;
	s4 =	sadd.s32 s4, s6;
	[dreg:$0x0] =	wrdreg $0x0  }
0xae: {  	s6 =	sshll.u32 s28, $0x1;
	[dreg:$0x2] =	wrdreg s4  }
0xaf: {  	[dreg:$0x3] =	wrdreg s6  }
0xb0: {  	[dreg:$0x4] =	wrdreg $0xC0  }
0xb1: {  	_ =	task [dreg:s8], $0x5FFFF  }
0xb2: {  	[dreg:$0x1] =	wrdreg $0xFFFFFFFF  }
0xb3: {  	[dreg:$0x0] =	wrdreg $0x60  }
0xb4: {  	[dreg:$0x2] =	wrdreg s15  }
0xb5: {  	[dreg:$0x3] =	wrdreg s16  }
0xb6: {  	[dreg:$0x4] =	wrdreg s24  }
0xb7: {  	[dreg:$0x5] =	wrdreg $0x9  }
0xb8: {  	_ =	task.clear_ibuf [dreg:s8], $0x6FFFF;
	_ =	strace $0x90000046  }
0xb9: {  	s29 =	simm.s32 $0x9;
	_ =	strace $0x80000048  }
0xba: {  	_ =	swait.ge [sflag:s29], $0x1  }
0xbb: {  	[sflag:s29] =	ssyncadd.s32 $0xFFFFFFFF  }
0xbc: {  	_ =	strace $0x90000048  }
0xbd: {  	_ =	sfence  }
0xbe: {  	s30 =	sld [smem:$0x0];
	_ =	sdelay $0x2  }
0xbf: {  	s31 =	sshll.u32 s1, $0xD;
	s1 =	sshrl.u32 s1, $0x2  }
0xc0: {  	s3 =	sand.u32 $0x4000, s31;
	s1 =	sadd.s32 s1, s30  }
0xc1: {  	s0 =	sor.u32 s3, s0;
	s1 =	sshll.u32 s1, $0x11  }
0xc2: {  	s0 =	sor.u32 s1, s0  }
0xc3: {  	s0 =	sadd.s32 $0x8F2B, s0  }
0xc4: {  	[sflag:s0] =	ssyncadd.remote.s32 $0x1  }
0xc5: {  	_ =	sfence.sel $0xFFFF  }
0xc6: {  	[dreg:$0x0] =	wrdreg $0xFFFFFFFF;
	(pc) =	sbr.abs _section_cstart, $3  }
0xc7: {  	[dreg:$0x1] =	wrdreg $0xFFFFFFFF  }
0xc8: {  	_ =	task.clear_ibuf [dreg:s8], $0x2FFFF;
	_ =	strace $0x9FFFFFFF  }
0xc9: {  	(tm) =	ssettm $0x7FFFFFFF  }
tec
execute0_lowered:
.L_overlay_start_1:
0x0: {  	(tag) =	ssettag $0x1  }
0x1: {  	s2 =	rddreg [dreg:$0x0]  }
0x2: {  	s4 =	rddreg [dreg:$0x1]  }
0x3: {  	s12 =	rddreg [dreg:$0x2]  }
0x4: {  	s0 =	rddreg [dreg:$0x3]  }
0x5: {  	s5 =	srdreg.scid;
	s1 =	stileid.u32  }
0x6: {  	s3 =	simm.s32 $0x0;
	s7 =	sand.u32 $0x1, s5;
	s30 =	sshll.u32 s1, $0x1  }
0x7: {  	[smem:$0x7FF] =	sst s3;
	s13 =	sor.u32 s7, s30  }
0x8: {  	_ =	strace $0x80000047;
	s5 =	sadd.s32 s4, s13;
	s4 =	simm.s32 $0x2  }
0x9: {  	[tilespmem:s3], [sflag:$0x2] =	stream.linear.gather [hbm4b:s5+s3], $0x8, $0x38;
	[tilespmem:$0x1880] =	vst v63  }
0xa: {  	_ =	swait.ge [sflag:s4], $0x8  }
0xb: {  	[sflag:s4] =	ssyncset.done $0x0  }
0xc: {  	[sflag:s4] =	ssyncadd.s32 $0xFFFFFFF8  }
0xd: {  	v0 =	vld.msk [tilespmem:$0x0], $0xff;
	_ =	sdelay $0x4  }
0xe: {  	v1 =	vshrl.u32 v0, $0x3  }
0xf: {  	v1 =	vmul.u32 $0x30, v1  }
0x10: {  	v2 =	vlaneseq.u32;
	v3 =	vand.u32 $0x7, v0  }
0x11: {  	v0 =	vand.u32 $0x7, v2;
	v2 =	vshrl.u32 v2, $0x3;
	v3 =	vor.u32 v3, v1  }
0x12: {  	v1 =	vmul.u32 $0x8, v2;
	v2 =	vperm.xlane v3, v0;
	_ =	sdelay $0x1  }
0x13: {  	v2 =	vadd.s32 v1, v2;
	_ =	sdelay $0x2  }
0x14: {  	s14 =	ssub.s32 $0x2, s7  }
0x15: {  	vm0 =	vmmov $0xffff;
	s6 =	simm.s32 $0x80;
	s8 =	simm.s32 $0x880;
	s15 =	sshrl.u32 s14, $0x1  }
0x16: {  	[tilespmem:s6], [sflag:$0x1] =	stream.indirect_vreg.gather [hbm4b:s2+s3], $0x80, v2, vm0, $0xb8;
	[tilespmem:$0x1880] =	vst v63  }
0x17: {  	s10 =	simm.s32 $0x1080;
	s7 =	sadd.s32 $0x100, s2;
	s14 =	ssub.s32 s14, s15  }
0x18: {  	[tilespmem:s8], [sflag:$0x1] =	stream.indirect_vreg.gather [hbm4b:s7+s3], $0x80, v2, vm0, $0xb8;
	[tilespmem:$0x1880] =	vst v63  }
0x19: {  	s11 =	simm.s32 $0x1;
	s9 =	sadd.s32 $0x200, s2;
	s31 =	smax.u32 s14, $0x1  }
0x1a: {  	[tilespmem:s10], [sflag:$0x1] =	stream.indirect_vreg.gather [hbm4b:s9+s3], $0x80, v2, vm0, $0xb8;
	[tilespmem:$0x1880] =	vst v63  }
0x1b: {  	s13 =	smul.u32 $0x300, s13;
	p0 =	sne.s32 s31, $0x1;
	_ =	swait.ge [sflag:s11], $0x1800  }
.Ltmp0:
0x1c: {  	[sflag:s11] =	ssyncset.done $0x0;
	(pc) =	sbr.rel @!p0 .LBB2_2-.Ltmp0, $4  }
0x1d: {  	s12 =	sadd.s32 s12, s13;
	[sflag:s11] =	ssyncadd.s32 $0xFFFFE800  }
0x1e: {  	[hbm4b:s12+s3] =	stream.linear.scatter [tilespmem:s6], [sflag:$0x2], $0x1800, $0x38;
	[tilespmem:$0x1880] =	vst v63  }
0x1f: {  	_ =	swait.ge [sflag:s4], $0x1800  }
0x20: {  	s13 =	sadd.s32 $0xFFFFFFFF, s31;
	[sflag:s4] =	ssyncset.done $0x0  }
.LBB2_1:
0x21: {  	p0 =	sne.s32 s13, $0x1;
	s13 =	sadd.s32 $0xFFFFFFFF, s13;
	[sflag:s4] =	ssyncadd.s32 $0xFFFFE800  }
0x22: {  	[tilespmem:s3], [sflag:$0x2] =	stream.linear.gather [hbm4b:s5+s3], $0x8, $0x38;
	[tilespmem:$0x1880] =	vst v63  }
0x23: {  	_ =	swait.ge [sflag:s4], $0x8  }
0x24: {  	[sflag:s4] =	ssyncset.done $0x0  }
0x25: {  	[sflag:s4] =	ssyncadd.s32 $0xFFFFFFF8  }
0x26: {  	v2 =	vld.msk [tilespmem:$0x0], $0xff;
	_ =	sdelay $0x4  }
0x27: {  	v3 =	vshrl.u32 v2, $0x3  }
0x28: {  	v3 =	vmul.u32 $0x30, v3  }
0x29: {  	v2 =	vand.u32 $0x7, v2  }
0x2a: {  	v2 =	vor.u32 v2, v3  }
0x2b: {  	v2 =	vperm.xlane v2, v0;
	_ =	sdelay $0x1  }
0x2c: {  	v2 =	vadd.s32 v1, v2;
	_ =	sdelay $0x4  }
0x2d: {  	[tilespmem:s6], [sflag:$0x1] =	stream.indirect_vreg.gather [hbm4b:s2+s3], $0x80, v2, vm0, $0xb8;
	[tilespmem:$0x1880] =	vst v63  }
0x2e: {  	_ = 	snop  }
0x2f: {  	[tilespmem:s8], [sflag:$0x1] =	stream.indirect_vreg.gather [hbm4b:s7+s3], $0x80, v2, vm0, $0xb8;
	[tilespmem:$0x1880] =	vst v63  }
0x30: {  	_ = 	snop  }
0x31: {  	[tilespmem:s10], [sflag:$0x1] =	stream.indirect_vreg.gather [hbm4b:s9+s3], $0x80, v2, vm0, $0xb8;
	[tilespmem:$0x1880] =	vst v63  }
0x32: {  	_ =	swait.ge [sflag:s11], $0x1800  }
.Ltmp1:
0x33: {  	[sflag:s11] =	ssyncset.done $0x0;
	(pc) =	sbr.rel @p0 .LBB2_1-.Ltmp1, $4  }
0x34: {  	[sflag:s11] =	ssyncadd.s32 $0xFFFFE800  }
0x35: {  	[hbm4b:s12+s3] =	stream.linear.scatter [tilespmem:s6], [sflag:$0x2], $0x1800, $0x38;
	[tilespmem:$0x1880] =	vst v63  }
0x36: {  	_ =	swait.ge [sflag:s4], $0x1800  }
0x37: {  	[sflag:s4] =	ssyncset.done $0x0  }
.LBB2_2:
0x38: {  	[sflag:s4] =	ssyncadd.s32 $0xFFFFE800  }
0x39: {  	_ =	sfence.sel $0x180000  }
0x3a: {  	[bflag:$0x0] =	sbarrier.arrive $0xFFFF  }
0x3b: {  	p0 =	sne.s32 s1, $0x0;
	_ =	strace $0x90000047  }
0x3c: {  	s0 =	sadd.s32 @!p0 $0x100000, s0;
	[bflag:$0x2] =	sbarrier.arrive $0xFFFF  }
0x3d: {  	[sflag:s0] =	ssyncadd.tile.s32 @!p0 $0x1;
	_ =	shalt  }
.Lfunc_end2:
_tile_overlayer_lowered:
.L_overlay_start_2:
0x3e: {  	(tag) =	ssettag $0x2  }
0x3f: {  	s0 =	rddreg [dreg:$0x0];
	s2 =	stileid.u32  }
0x40: {  	s1 =	rddreg [dreg:$0x1];
	p0 =	sne.s32 s2, $0x0  }
0x41: {  	s3 =	rddreg [dreg:$0x2];
	[bflag:$0x3] =	sbarrier.arrive $0xFFFF;
	s2 =	simm.s32 @!p0 $0x1C02  }
0x42: {  	[timem:s3], [sflag:s2] =	dma.local @!p0 [hbm:s0], s1  }
0x43: {  	s0 =	simm.s32 @!p0 $0x2  }
0x44: {  	_ =	swait.ge @!p0 [sflag:s0], s1  }
0x45: {  	s1 =	ssub.s32 @!p0 $0x0, s1;
	[sflag:s0] =	ssyncset.done @!p0 $0x0  }
0x46: {  	[sflag:s0] =	ssyncadd.s32 @!p0 s1  }
0x47: {  	[bflag:$0x3] =	sbarrier.arrive $0xFFFF  }
0x48: {  	_ =	shalt  }

</sc_bundles>
